<compile_context>
chip_gen: v7x
topology: tpu7x:2x2x1
jax: 0.10.2.dev20260603
libtpu: 0.0.44.dev20260713+nightly
codegen_flags: <defaults>
</compile_context>

<pallas_src>
import functools

import jax
import jax.numpy as jnp
from jax import lax
from jax.experimental import pallas as pl
from jax.experimental.pallas import tpu as pltpu
from jax.experimental.pallas import tpu_sc as plsc

_NC = 2
_NS = 16
_NW = _NC * _NS
_LANES = 16


def _make_sc_broadcast(S1, B, V, dtype):
    mesh = plsc.VectorSubcoreMesh(core_axis_name="c", subcore_axis_name="s")
    n_blocks = S1
    per_core = (n_blocks + _NC - 1) // _NC
    max_per_tile = (per_core + _NS - 1) // _NS
    half = B // 2
    n_full = V // _LANES
    tail = V - n_full * _LANES

    @functools.partial(
        pl.kernel,
        mesh=mesh,
        out_type=jax.ShapeDtypeStruct((S1, B, V), dtype),
        scratch_types=[
            pltpu.VMEM((V,), dtype),
            pltpu.VMEM((half, V), dtype),
            pltpu.SemaphoreType.DMA,
        ],
    )
    def sc_broadcast(logs_hbm, out_hbm, logs_v, buf, sem):
        cid = lax.axis_index("c")
        sid = lax.axis_index("s")
        pltpu.sync_copy(logs_hbm, logs_v)

        chunks = [
            logs_v[pl.ds(i * _LANES, _LANES)] for i in range(n_full)
        ]
        if tail:
            chunks.append(logs_v[pl.ds(V - _LANES, _LANES)])

        def fill_row(r, carry):
            for i in range(n_full):
                buf[r, pl.ds(i * _LANES, _LANES)] = chunks[i]
            if tail:
                buf[r, pl.ds(V - _LANES, _LANES)] = chunks[-1]
            return carry

        lax.fori_loop(0, half, fill_row, 0)

        base = cid * per_core
        for j in range(max_per_tile):
            local = sid + j * _NS
            step = base + local
            @pl.when(jnp.logical_and(local < per_core, step < n_blocks))
            def _():
                pltpu.make_async_copy(
                    buf, out_hbm.at[step, pl.ds(0, half)], sem).start()
                pltpu.make_async_copy(
                    buf, out_hbm.at[step, pl.ds(half, half)], sem).start()
        for j in range(max_per_tile):
            local = sid + j * _NS
            step = base + local
            @pl.when(jnp.logical_and(local < per_core, step < n_blocks))
            def _():
                pltpu.make_async_copy(
                    buf, out_hbm.at[step, pl.ds(0, half)], sem).wait()
                pltpu.make_async_copy(
                    buf, out_hbm.at[step, pl.ds(half, half)], sem).wait()

    return sc_broadcast


def kernel(hist, logs):
    S_, B_ = hist.shape
    V = logs.shape[0]
    fn = _make_sc_broadcast(S_ + 1, B_, V, logs.dtype)
    return fn(logs)

# --- scband reference (transcript-rebuilt; emitter-appended) ---
"""Pipeline reference for scband-lookup-language-model-69398081568858 (READ-ONLY COPY).

The authoritative reference and input builder live on the scoring server;
editing this copy changes nothing except your own understanding.
"""

import jax, jax.numpy as jnp
import numpy as np

VOCAB = 1000
S = 256
B = 128


def setup_inputs(seed: int = 0) -> dict:
    key = jax.random.key(seed)
    hist = jax.random.randint(jax.random.fold_in(key, 0), (S, B), 0, VOCAB).astype(jnp.int32)
    # LookupLanguageModel with prob_list=None builds a uniform unigram model:
    # max n-gram order N=1, empty pointers/ids, logs[v] = log(1/vocab_size).
    # sos=0 lies inside the vocabulary so shift=0 and logs has exactly V entries.
    logs = jnp.full((VOCAB,), -np.log(float(VOCAB)), dtype=jnp.float32)
    return {"hist": hist, "logs": logs}


def reference(hist, logs):
    # Faithful translation of the N == 1 path of _lookup_calc_idx_log_probs,
    # applied at every idx in 0..S (the idx=None 'full' forward of
    # SequentialLanguageModel stacks the per-step distributions).
    # For each step: cur_step = arange(shift, V+shift) broadcast to (B, V),
    # then logs_t = logs[:G] expanded over batch and gathered with cur_step.
    S_, B_ = hist.shape
    V = logs.shape[0]
    shift = 0
    cur_step = jnp.broadcast_to(jnp.arange(shift, V + shift, dtype=jnp.int32)[None, :], (B_, V))
    # gather: logs_t.gather(1, cur_step) == take rows of logs at cur_step
    step_log_probs = jnp.take(logs, cur_step, axis=0)  # (B, V)
    # history tokens do not affect a unigram model; every step yields the same
    # gathered distribution, stacked over S+1 prefix lengths.
    out = jnp.broadcast_to(step_log_probs[None, :, :], (S_ + 1, B_, V))
    return out

if __name__ == "__main__":
    import jax
    _d = setup_inputs()
    print(jax.jit(kernel)(*tuple(_d.values())))

</pallas_src>

<mosaic_0001>
#map = affine_map<(d0, d1) -> (0)>
#map1 = affine_map<(d0, d1) -> (0, 0, 0)>
module attributes {stable_mosaic.version = 14 : i64} {
  func.func @sc_broadcast(%arg0: i32, %arg1: i32, %arg2: memref<1000xf32, #tpu.memory_space<hbm>>, %arg3: memref<257x128x1000xf32, #tpu.memory_space<hbm>>, %arg4: memref<1000xf32, #tpu.memory_space<vmem>>, %arg5: memref<64x1000xf32, #tpu.memory_space<vmem>>, %arg6: memref<!tpu.dma_semaphore, #tpu.memory_space<semaphore_mem>>) attributes {dimension_semantics = [#tpu.dimension_semantics<core_parallel>, #tpu.dimension_semantics<subcore_parallel>], iteration_bounds = array<i64: 2, 16>, scalar_prefetch = 0 : i64, scratch_operands = 3 : i64, tpu.core_type = #tpu.core_type<sc_vector_subcore>, window_params = [{transform_indices = #map}, {transform_indices = #map1}]} {
    "tpu.region"() ({
      %run_scoped3A = tpu.sem_alloc : memref<!tpu.dma_semaphore, #tpu.memory_space<semaphore_mem>>
      tpu.enqueue_dma source(%arg2 : memref<1000xf32, #tpu.memory_space<hbm>>) target(%arg4 : memref<1000xf32, #tpu.memory_space<vmem>>) target_semaphore(%run_scoped3A : memref<!tpu.dma_semaphore, #tpu.memory_space<semaphore_mem>>)
      tpu.wait_dma2 semaphore(%run_scoped3A : memref<!tpu.dma_semaphore, #tpu.memory_space<semaphore_mem>>) src(%arg2 : memref<1000xf32, #tpu.memory_space<hbm>>) dst(%arg4 : memref<1000xf32, #tpu.memory_space<vmem>>)
      tpu.yield
    }) : () -> ()
    %get3A = arith.constant 0 : index
    %get3A_0 = tpu.vector_load %arg4[%get3A] {strides = array<i32>} : memref<1000xf32, #tpu.memory_space<vmem>>, vector<16xf32>,
    %get3A_1 = vector.shape_cast %get3A_0 : vector<16xf32> to vector<16xf32>
    %get3A_2 = arith.constant 16 : index
    %get3A_3 = tpu.vector_load %arg4[%get3A_2] {strides = array<i32>} : memref<1000xf32, #tpu.memory_space<vmem>>, vector<16xf32>,
    %get3A_4 = vector.shape_cast %get3A_3 : vector<16xf32> to vector<16xf32>
    %get3A_5 = arith.constant 32 : index
    %get3A_6 = tpu.vector_load %arg4[%get3A_5] {strides = array<i32>} : memref<1000xf32, #tpu.memory_space<vmem>>, vector<16xf32>,
    %get3A_7 = vector.shape_cast %get3A_6 : vector<16xf32> to vector<16xf32>
    %get3A_8 = arith.constant 48 : index
    %get3A_9 = tpu.vector_load %arg4[%get3A_8] {strides = array<i32>} : memref<1000xf32, #tpu.memory_space<vmem>>, vector<16xf32>,
    %get3A_10 = vector.shape_cast %get3A_9 : vector<16xf32> to vector<16xf32>
    %get3A_11 = arith.constant 64 : index
    %get3A_12 = tpu.vector_load %arg4[%get3A_11] {strides = array<i32>} : memref<1000xf32, #tpu.memory_space<vmem>>, vector<16xf32>,
    %get3A_13 = vector.shape_cast %get3A_12 : vector<16xf32> to vector<16xf32>
    %get3A_14 = arith.constant 80 : index
    %get3A_15 = tpu.vector_load %arg4[%get3A_14] {strides = array<i32>} : memref<1000xf32, #tpu.memory_space<vmem>>, vector<16xf32>,
    %get3A_16 = vector.shape_cast %get3A_15 : vector<16xf32> to vector<16xf32>
    %get3A_17 = arith.constant 96 : index
    %get3A_18 = tpu.vector_load %arg4[%get3A_17] {strides = array<i32>} : memref<1000xf32, #tpu.memory_space<vmem>>, vector<16xf32>,
    %get3A_19 = vector.shape_cast %get3A_18 : vector<16xf32> to vector<16xf32>
    %get3A_20 = arith.constant 112 : index
    %get3A_21 = tpu.vector_load %arg4[%get3A_20] {strides = array<i32>} : memref<1000xf32, #tpu.memory_space<vmem>>, vector<16xf32>,
    %get3A_22 = vector.shape_cast %get3A_21 : vector<16xf32> to vector<16xf32>
    %get3A_23 = arith.constant 128 : index
    %get3A_24 = tpu.vector_load %arg4[%get3A_23] {strides = array<i32>} : memref<1000xf32, #tpu.memory_space<vmem>>, vector<16xf32>,
    %get3A_25 = vector.shape_cast %get3A_24 : vector<16xf32> to vector<16xf32>
    %get3A_26 = arith.constant 144 : index
    %get3A_27 = tpu.vector_load %arg4[%get3A_26] {strides = array<i32>} : memref<1000xf32, #tpu.memory_space<vmem>>, vector<16xf32>,
    %get3A_28 = vector.shape_cast %get3A_27 : vector<16xf32> to vector<16xf32>
    %get3A_29 = arith.constant 160 : index
    %get3A_30 = tpu.vector_load %arg4[%get3A_29] {strides = array<i32>} : memref<1000xf32, #tpu.memory_space<vmem>>, vector<16xf32>,
    %get3A_31 = vector.shape_cast %get3A_30 : vector<16xf32> to vector<16xf32>
    %get3A_32 = arith.constant 176 : index
    %get3A_33 = tpu.vector_load %arg4[%get3A_32] {strides = array<i32>} : memref<1000xf32, #tpu.memory_space<vmem>>, vector<16xf32>,
    %get3A_34 = vector.shape_cast %get3A_33 : vector<16xf32> to vector<16xf32>
    %get3A_35 = arith.constant 192 : index
    %get3A_36 = tpu.vector_load %arg4[%get3A_35] {strides = array<i32>} : memref<1000xf32, #tpu.memory_space<vmem>>, vector<16xf32>,
    %get3A_37 = vector.shape_cast %get3A_36 : vector<16xf32> to vector<16xf32>
    %get3A_38 = arith.constant 208 : index
    %get3A_39 = tpu.vector_load %arg4[%get3A_38] {strides = array<i32>} : memref<1000xf32, #tpu.memory_space<vmem>>, vector<16xf32>,
    %get3A_40 = vector.shape_cast %get3A_39 : vector<16xf32> to vector<16xf32>
    %get3A_41 = arith.constant 224 : index
    %get3A_42 = tpu.vector_load %arg4[%get3A_41] {strides = array<i32>} : memref<1000xf32, #tpu.memory_space<vmem>>, vector<16xf32>,
    %get3A_43 = vector.shape_cast %get3A_42 : vector<16xf32> to vector<16xf32>
    %get3A_44 = arith.constant 240 : index
    %get3A_45 = tpu.vector_load %arg4[%get3A_44] {strides = array<i32>} : memref<1000xf32, #tpu.memory_space<vmem>>, vector<16xf32>,
    %get3A_46 = vector.shape_cast %get3A_45 : vector<16xf32> to vector<16xf32>
    %get3A_47 = arith.constant 256 : index
    %get3A_48 = tpu.vector_load %arg4[%get3A_47] {strides = array<i32>} : memref<1000xf32, #tpu.memory_space<vmem>>, vector<16xf32>,
    %get3A_49 = vector.shape_cast %get3A_48 : vector<16xf32> to vector<16xf32>
    %get3A_50 = arith.constant 272 : index
    %get3A_51 = tpu.vector_load %arg4[%get3A_50] {strides = array<i32>} : memref<1000xf32, #tpu.memory_space<vmem>>, vector<16xf32>,
    %get3A_52 = vector.shape_cast %get3A_51 : vector<16xf32> to vector<16xf32>
    %get3A_53 = arith.constant 288 : index
    %get3A_54 = tpu.vector_load %arg4[%get3A_53] {strides = array<i32>} : memref<1000xf32, #tpu.memory_space<vmem>>, vector<16xf32>,
    %get3A_55 = vector.shape_cast %get3A_54 : vector<16xf32> to vector<16xf32>
    %get3A_56 = arith.constant 304 : index
    %get3A_57 = tpu.vector_load %arg4[%get3A_56] {strides = array<i32>} : memref<1000xf32, #tpu.memory_space<vmem>>, vector<16xf32>,
    %get3A_58 = vector.shape_cast %get3A_57 : vector<16xf32> to vector<16xf32>
    %get3A_59 = arith.constant 320 : index
    %get3A_60 = tpu.vector_load %arg4[%get3A_59] {strides = array<i32>} : memref<1000xf32, #tpu.memory_space<vmem>>, vector<16xf32>,
    %get3A_61 = vector.shape_cast %get3A_60 : vector<16xf32> to vector<16xf32>
    %get3A_62 = arith.constant 336 : index
    %get3A_63 = tpu.vector_load %arg4[%get3A_62] {strides = array<i32>} : memref<1000xf32, #tpu.memory_space<vmem>>, vector<16xf32>,
    %get3A_64 = vector.shape_cast %get3A_63 : vector<16xf32> to vector<16xf32>
    %get3A_65 = arith.constant 352 : index
    %get3A_66 = tpu.vector_load %arg4[%get3A_65] {strides = array<i32>} : memref<1000xf32, #tpu.memory_space<vmem>>, vector<16xf32>,
    %get3A_67 = vector.shape_cast %get3A_66 : vector<16xf32> to vector<16xf32>
    %get3A_68 = arith.constant 368 : index
    %get3A_69 = tpu.vector_load %arg4[%get3A_68] {strides = array<i32>} : memref<1000xf32, #tpu.memory_space<vmem>>, vector<16xf32>,
    %get3A_70 = vector.shape_cast %get3A_69 : vector<16xf32> to vector<16xf32>
    %get3A_71 = arith.constant 384 : index
    %get3A_72 = tpu.vector_load %arg4[%get3A_71] {strides = array<i32>} : memref<1000xf32, #tpu.memory_space<vmem>>, vector<16xf32>,
    %get3A_73 = vector.shape_cast %get3A_72 : vector<16xf32> to vector<16xf32>
    %get3A_74 = arith.constant 400 : index
    %get3A_75 = tpu.vector_load %arg4[%get3A_74] {strides = array<i32>} : memref<1000xf32, #tpu.memory_space<vmem>>, vector<16xf32>,
    %get3A_76 = vector.shape_cast %get3A_75 : vector<16xf32> to vector<16xf32>
    %get3A_77 = arith.constant 416 : index
    %get3A_78 = tpu.vector_load %arg4[%get3A_77] {strides = array<i32>} : memref<1000xf32, #tpu.memory_space<vmem>>, vector<16xf32>,
    %get3A_79 = vector.shape_cast %get3A_78 : vector<16xf32> to vector<16xf32>
    %get3A_80 = arith.constant 432 : index
    %get3A_81 = tpu.vector_load %arg4[%get3A_80] {strides = array<i32>} : memref<1000xf32, #tpu.memory_space<vmem>>, vector<16xf32>,
    %get3A_82 = vector.shape_cast %get3A_81 : vector<16xf32> to vector<16xf32>
    %get3A_83 = arith.constant 448 : index
    %get3A_84 = tpu.vector_load %arg4[%get3A_83] {strides = array<i32>} : memref<1000xf32, #tpu.memory_space<vmem>>, vector<16xf32>,
    %get3A_85 = vector.shape_cast %get3A_84 : vector<16xf32> to vector<16xf32>
    %get3A_86 = arith.constant 464 : index
    %get3A_87 = tpu.vector_load %arg4[%get3A_86] {strides = array<i32>} : memref<1000xf32, #tpu.memory_space<vmem>>, vector<16xf32>,
    %get3A_88 = vector.shape_cast %get3A_87 : vector<16xf32> to vector<16xf32>
    %get3A_89 = arith.constant 480 : index
    %get3A_90 = tpu.vector_load %arg4[%get3A_89] {strides = array<i32>} : memref<1000xf32, #tpu.memory_space<vmem>>, vector<16xf32>,
    %get3A_91 = vector.shape_cast %get3A_90 : vector<16xf32> to vector<16xf32>
    %get3A_92 = arith.constant 496 : index
    %get3A_93 = tpu.vector_load %arg4[%get3A_92] {strides = array<i32>} : memref<1000xf32, #tpu.memory_space<vmem>>, vector<16xf32>,
    %get3A_94 = vector.shape_cast %get3A_93 : vector<16xf32> to vector<16xf32>
    %get3A_95 = arith.constant 512 : index
    %get3A_96 = tpu.vector_load %arg4[%get3A_95] {strides = array<i32>} : memref<1000xf32, #tpu.memory_space<vmem>>, vector<16xf32>,
    %get3A_97 = vector.shape_cast %get3A_96 : vector<16xf32> to vector<16xf32>
    %get3A_98 = arith.constant 528 : index
    %get3A_99 = tpu.vector_load %arg4[%get3A_98] {strides = array<i32>} : memref<1000xf32, #tpu.memory_space<vmem>>, vector<16xf32>,
    %get3A_100 = vector.shape_cast %get3A_99 : vector<16xf32> to vector<16xf32>
    %get3A_101 = arith.constant 544 : index
    %get3A_102 = tpu.vector_load %arg4[%get3A_101] {strides = array<i32>} : memref<1000xf32, #tpu.memory_space<vmem>>, vector<16xf32>,
    %get3A_103 = vector.shape_cast %get3A_102 : vector<16xf32> to vector<16xf32>
    %get3A_104 = arith.constant 560 : index
    %get3A_105 = tpu.vector_load %arg4[%get3A_104] {strides = array<i32>} : memref<1000xf32, #tpu.memory_space<vmem>>, vector<16xf32>,
    %get3A_106 = vector.shape_cast %get3A_105 : vector<16xf32> to vector<16xf32>
    %get3A_107 = arith.constant 576 : index
    %get3A_108 = tpu.vector_load %arg4[%get3A_107] {strides = array<i32>} : memref<1000xf32, #tpu.memory_space<vmem>>, vector<16xf32>,
    %get3A_109 = vector.shape_cast %get3A_108 : vector<16xf32> to vector<16xf32>
    %get3A_110 = arith.constant 592 : index
    %get3A_111 = tpu.vector_load %arg4[%get3A_110] {strides = array<i32>} : memref<1000xf32, #tpu.memory_space<vmem>>, vector<16xf32>,
    %get3A_112 = vector.shape_cast %get3A_111 : vector<16xf32> to vector<16xf32>
    %get3A_113 = arith.constant 608 : index
    %get3A_114 = tpu.vector_load %arg4[%get3A_113] {strides = array<i32>} : memref<1000xf32, #tpu.memory_space<vmem>>, vector<16xf32>,
    %get3A_115 = vector.shape_cast %get3A_114 : vector<16xf32> to vector<16xf32>
    %get3A_116 = arith.constant 624 : index
    %get3A_117 = tpu.vector_load %arg4[%get3A_116] {strides = array<i32>} : memref<1000xf32, #tpu.memory_space<vmem>>, vector<16xf32>,
    %get3A_118 = vector.shape_cast %get3A_117 : vector<16xf32> to vector<16xf32>
    %get3A_119 = arith.constant 640 : index
    %get3A_120 = tpu.vector_load %arg4[%get3A_119] {strides = array<i32>} : memref<1000xf32, #tpu.memory_space<vmem>>, vector<16xf32>,
    %get3A_121 = vector.shape_cast %get3A_120 : vector<16xf32> to vector<16xf32>
    %get3A_122 = arith.constant 656 : index
    %get3A_123 = tpu.vector_load %arg4[%get3A_122] {strides = array<i32>} : memref<1000xf32, #tpu.memory_space<vmem>>, vector<16xf32>,
    %get3A_124 = vector.shape_cast %get3A_123 : vector<16xf32> to vector<16xf32>
    %get3A_125 = arith.constant 672 : index
    %get3A_126 = tpu.vector_load %arg4[%get3A_125] {strides = array<i32>} : memref<1000xf32, #tpu.memory_space<vmem>>, vector<16xf32>,
    %get3A_127 = vector.shape_cast %get3A_126 : vector<16xf32> to vector<16xf32>
    %get3A_128 = arith.constant 688 : index
    %get3A_129 = tpu.vector_load %arg4[%get3A_128] {strides = array<i32>} : memref<1000xf32, #tpu.memory_space<vmem>>, vector<16xf32>,
    %get3A_130 = vector.shape_cast %get3A_129 : vector<16xf32> to vector<16xf32>
    %get3A_131 = arith.constant 704 : index
    %get3A_132 = tpu.vector_load %arg4[%get3A_131] {strides = array<i32>} : memref<1000xf32, #tpu.memory_space<vmem>>, vector<16xf32>,
    %get3A_133 = vector.shape_cast %get3A_132 : vector<16xf32> to vector<16xf32>
    %get3A_134 = arith.constant 720 : index
    %get3A_135 = tpu.vector_load %arg4[%get3A_134] {strides = array<i32>} : memref<1000xf32, #tpu.memory_space<vmem>>, vector<16xf32>,
    %get3A_136 = vector.shape_cast %get3A_135 : vector<16xf32> to vector<16xf32>
    %get3A_137 = arith.constant 736 : index
    %get3A_138 = tpu.vector_load %arg4[%get3A_137] {strides = array<i32>} : memref<1000xf32, #tpu.memory_space<vmem>>, vector<16xf32>,
    %get3A_139 = vector.shape_cast %get3A_138 : vector<16xf32> to vector<16xf32>
    %get3A_140 = arith.constant 752 : index
    %get3A_141 = tpu.vector_load %arg4[%get3A_140] {strides = array<i32>} : memref<1000xf32, #tpu.memory_space<vmem>>, vector<16xf32>,
    %get3A_142 = vector.shape_cast %get3A_141 : vector<16xf32> to vector<16xf32>
    %get3A_143 = arith.constant 768 : index
    %get3A_144 = tpu.vector_load %arg4[%get3A_143] {strides = array<i32>} : memref<1000xf32, #tpu.memory_space<vmem>>, vector<16xf32>,
    %get3A_145 = vector.shape_cast %get3A_144 : vector<16xf32> to vector<16xf32>
    %get3A_146 = arith.constant 784 : index
    %get3A_147 = tpu.vector_load %arg4[%get3A_146] {strides = array<i32>} : memref<1000xf32, #tpu.memory_space<vmem>>, vector<16xf32>,
    %get3A_148 = vector.shape_cast %get3A_147 : vector<16xf32> to vector<16xf32>
    %get3A_149 = arith.constant 800 : index
    %get3A_150 = tpu.vector_load %arg4[%get3A_149] {strides = array<i32>} : memref<1000xf32, #tpu.memory_space<vmem>>, vector<16xf32>,
    %get3A_151 = vector.shape_cast %get3A_150 : vector<16xf32> to vector<16xf32>
    %get3A_152 = arith.constant 816 : index
    %get3A_153 = tpu.vector_load %arg4[%get3A_152] {strides = array<i32>} : memref<1000xf32, #tpu.memory_space<vmem>>, vector<16xf32>,
    %get3A_154 = vector.shape_cast %get3A_153 : vector<16xf32> to vector<16xf32>
    %get3A_155 = arith.constant 832 : index
    %get3A_156 = tpu.vector_load %arg4[%get3A_155] {strides = array<i32>} : memref<1000xf32, #tpu.memory_space<vmem>>, vector<16xf32>,
    %get3A_157 = vector.shape_cast %get3A_156 : vector<16xf32> to vector<16xf32>
    %get3A_158 = arith.constant 848 : index
    %get3A_159 = tpu.vector_load %arg4[%get3A_158] {strides = array<i32>} : memref<1000xf32, #tpu.memory_space<vmem>>, vector<16xf32>,
    %get3A_160 = vector.shape_cast %get3A_159 : vector<16xf32> to vector<16xf32>
    %get3A_161 = arith.constant 864 : index
    %get3A_162 = tpu.vector_load %arg4[%get3A_161] {strides = array<i32>} : memref<1000xf32, #tpu.memory_space<vmem>>, vector<16xf32>,
    %get3A_163 = vector.shape_cast %get3A_162 : vector<16xf32> to vector<16xf32>
    %get3A_164 = arith.constant 880 : index
    %get3A_165 = tpu.vector_load %arg4[%get3A_164] {strides = array<i32>} : memref<1000xf32, #tpu.memory_space<vmem>>, vector<16xf32>,
    %get3A_166 = vector.shape_cast %get3A_165 : vector<16xf32> to vector<16xf32>
    %get3A_167 = arith.constant 896 : index
    %get3A_168 = tpu.vector_load %arg4[%get3A_167] {strides = array<i32>} : memref<1000xf32, #tpu.memory_space<vmem>>, vector<16xf32>,
    %get3A_169 = vector.shape_cast %get3A_168 : vector<16xf32> to vector<16xf32>
    %get3A_170 = arith.constant 912 : index
    %get3A_171 = tpu.vector_load %arg4[%get3A_170] {strides = array<i32>} : memref<1000xf32, #tpu.memory_space<vmem>>, vector<16xf32>,
    %get3A_172 = vector.shape_cast %get3A_171 : vector<16xf32> to vector<16xf32>
    %get3A_173 = arith.constant 928 : index
    %get3A_174 = tpu.vector_load %arg4[%get3A_173] {strides = array<i32>} : memref<1000xf32, #tpu.memory_space<vmem>>, vector<16xf32>,
    %get3A_175 = vector.shape_cast %get3A_174 : vector<16xf32> to vector<16xf32>
    %get3A_176 = arith.constant 944 : index
    %get3A_177 = tpu.vector_load %arg4[%get3A_176] {strides = array<i32>} : memref<1000xf32, #tpu.memory_space<vmem>>, vector<16xf32>,
    %get3A_178 = vector.shape_cast %get3A_177 : vector<16xf32> to vector<16xf32>
    %get3A_179 = arith.constant 960 : index
    %get3A_180 = tpu.vector_load %arg4[%get3A_179] {strides = array<i32>} : memref<1000xf32, #tpu.memory_space<vmem>>, vector<16xf32>,
    %get3A_181 = vector.shape_cast %get3A_180 : vector<16xf32> to vector<16xf32>
    %get3A_182 = arith.constant 976 : index
    %get3A_183 = tpu.vector_load %arg4[%get3A_182] {strides = array<i32>} : memref<1000xf32, #tpu.memory_space<vmem>>, vector<16xf32>,
    %get3A_184 = vector.shape_cast %get3A_183 : vector<16xf32> to vector<16xf32>
    %get3A_185 = arith.constant 984 : index
    %get3A_186 = tpu.vector_load %arg4[%get3A_185] {strides = array<i32>} : memref<1000xf32, #tpu.memory_space<vmem>>, vector<16xf32>,
    %get3A_187 = vector.shape_cast %get3A_186 : vector<16xf32> to vector<16xf32>
    %scan3A = arith.constant 0 : i32
    %scan3A_188 = arith.constant 0 : i32
    %scan3A_189 = arith.constant 64 : i32
    %scan3A_190 = arith.addi %scan3A_188, %scan3A_189 : i32
    %scan3A_191 = arith.constant 1 : i32
    scf.for %scan3A_387 = %scan3A_188 to %scan3A_190 step %scan3A_191  : i32 {
      %swap3A = arith.index_cast %scan3A_387 : i32 to index
      %swap3A_388 = arith.constant 0 : index
      %swap3A_389 = tpu.vector_load %arg5[%swap3A, %swap3A_388] {strides = array<i32>} : memref<64x1000xf32, #tpu.memory_space<vmem>>, vector<1x16xf32>,
      %swap3A_390 = vector.shape_cast %swap3A_389 : vector<1x16xf32> to vector<16xf32>
      %swap3A_391 = vector.shape_cast %get3A_1 : vector<16xf32> to vector<1x16xf32>
      tpu.vector_store %arg5[%swap3A, %swap3A_388], %swap3A_391 {strides = array<i32>} : memref<64x1000xf32, #tpu.memory_space<vmem>>, vector<1x16xf32>,
      %swap3A_392 = arith.index_cast %scan3A_387 : i32 to index
      %swap3A_393 = arith.constant 16 : index
      %swap3A_394 = tpu.vector_load %arg5[%swap3A_392, %swap3A_393] {strides = array<i32>} : memref<64x1000xf32, #tpu.memory_space<vmem>>, vector<1x16xf32>,
      %swap3A_395 = vector.shape_cast %swap3A_394 : vector<1x16xf32> to vector<16xf32>
      %swap3A_396 = vector.shape_cast %get3A_4 : vector<16xf32> to vector<1x16xf32>
      tpu.vector_store %arg5[%swap3A_392, %swap3A_393], %swap3A_396 {strides = array<i32>} : memref<64x1000xf32, #tpu.memory_space<vmem>>, vector<1x16xf32>,
      %swap3A_397 = arith.index_cast %scan3A_387 : i32 to index
      %swap3A_398 = arith.constant 32 : index
      %swap3A_399 = tpu.vector_load %arg5[%swap3A_397, %swap3A_398] {strides = array<i32>} : memref<64x1000xf32, #tpu.memory_space<vmem>>, vector<1x16xf32>,
      %swap3A_400 = vector.shape_cast %swap3A_399 : vector<1x16xf32> to vector<16xf32>
      %swap3A_401 = vector.shape_cast %get3A_7 : vector<16xf32> to vector<1x16xf32>
      tpu.vector_store %arg5[%swap3A_397, %swap3A_398], %swap3A_401 {strides = array<i32>} : memref<64x1000xf32, #tpu.memory_space<vmem>>, vector<1x16xf32>,
      %swap3A_402 = arith.index_cast %scan3A_387 : i32 to index
      %swap3A_403 = arith.constant 48 : index
      %swap3A_404 = tpu.vector_load %arg5[%swap3A_402, %swap3A_403] {strides = array<i32>} : memref<64x1000xf32, #tpu.memory_space<vmem>>, vector<1x16xf32>,
      %swap3A_405 = vector.shape_cast %swap3A_404 : vector<1x16xf32> to vector<16xf32>
      %swap3A_406 = vector.shape_cast %get3A_10 : vector<16xf32> to vector<1x16xf32>
      tpu.vector_store %arg5[%swap3A_402, %swap3A_403], %swap3A_406 {strides = array<i32>} : memref<64x1000xf32, #tpu.memory_space<vmem>>, vector<1x16xf32>,
      %swap3A_407 = arith.index_cast %scan3A_387 : i32 to index
      %swap3A_408 = arith.constant 64 : index
      %swap3A_409 = tpu.vector_load %arg5[%swap3A_407, %swap3A_408] {strides = array<i32>} : memref<64x1000xf32, #tpu.memory_space<vmem>>, vector<1x16xf32>,
      %swap3A_410 = vector.shape_cast %swap3A_409 : vector<1x16xf32> to vector<16xf32>
      %swap3A_411 = vector.shape_cast %get3A_13 : vector<16xf32> to vector<1x16xf32>
      tpu.vector_store %arg5[%swap3A_407, %swap3A_408], %swap3A_411 {strides = array<i32>} : memref<64x1000xf32, #tpu.memory_space<vmem>>, vector<1x16xf32>,
      %swap3A_412 = arith.index_cast %scan3A_387 : i32 to index
      %swap3A_413 = arith.constant 80 : index
      %swap3A_414 = tpu.vector_load %arg5[%swap3A_412, %swap3A_413] {strides = array<i32>} : memref<64x1000xf32, #tpu.memory_space<vmem>>, vector<1x16xf32>,
      %swap3A_415 = vector.shape_cast %swap3A_414 : vector<1x16xf32> to vector<16xf32>
      %swap3A_416 = vector.shape_cast %get3A_16 : vector<16xf32> to vector<1x16xf32>
      tpu.vector_store %arg5[%swap3A_412, %swap3A_413], %swap3A_416 {strides = array<i32>} : memref<64x1000xf32, #tpu.memory_space<vmem>>, vector<1x16xf32>,
      %swap3A_417 = arith.index_cast %scan3A_387 : i32 to index
      %swap3A_418 = arith.constant 96 : index
      %swap3A_419 = tpu.vector_load %arg5[%swap3A_417, %swap3A_418] {strides = array<i32>} : memref<64x1000xf32, #tpu.memory_space<vmem>>, vector<1x16xf32>,
      %swap3A_420 = vector.shape_cast %swap3A_419 : vector<1x16xf32> to vector<16xf32>
      %swap3A_421 = vector.shape_cast %get3A_19 : vector<16xf32> to vector<1x16xf32>
      tpu.vector_store %arg5[%swap3A_417, %swap3A_418], %swap3A_421 {strides = array<i32>} : memref<64x1000xf32, #tpu.memory_space<vmem>>, vector<1x16xf32>,
      %swap3A_422 = arith.index_cast %scan3A_387 : i32 to index
      %swap3A_423 = arith.constant 112 : index
      %swap3A_424 = tpu.vector_load %arg5[%swap3A_422, %swap3A_423] {strides = array<i32>} : memref<64x1000xf32, #tpu.memory_space<vmem>>, vector<1x16xf32>,
      %swap3A_425 = vector.shape_cast %swap3A_424 : vector<1x16xf32> to vector<16xf32>
      %swap3A_426 = vector.shape_cast %get3A_22 : vector<16xf32> to vector<1x16xf32>
      tpu.vector_store %arg5[%swap3A_422, %swap3A_423], %swap3A_426 {strides = array<i32>} : memref<64x1000xf32, #tpu.memory_space<vmem>>, vector<1x16xf32>,
      %swap3A_427 = arith.index_cast %scan3A_387 : i32 to index
      %swap3A_428 = arith.constant 128 : index
      %swap3A_429 = tpu.vector_load %arg5[%swap3A_427, %swap3A_428] {strides = array<i32>} : memref<64x1000xf32, #tpu.memory_space<vmem>>, vector<1x16xf32>,
      %swap3A_430 = vector.shape_cast %swap3A_429 : vector<1x16xf32> to vector<16xf32>
      %swap3A_431 = vector.shape_cast %get3A_25 : vector<16xf32> to vector<1x16xf32>
      tpu.vector_store %arg5[%swap3A_427, %swap3A_428], %swap3A_431 {strides = array<i32>} : memref<64x1000xf32, #tpu.memory_space<vmem>>, vector<1x16xf32>,
      %swap3A_432 = arith.index_cast %scan3A_387 : i32 to index
      %swap3A_433 = arith.constant 144 : index
      %swap3A_434 = tpu.vector_load %arg5[%swap3A_432, %swap3A_433] {strides = array<i32>} : memref<64x1000xf32, #tpu.memory_space<vmem>>, vector<1x16xf32>,
      %swap3A_435 = vector.shape_cast %swap3A_434 : vector<1x16xf32> to vector<16xf32>
      %swap3A_436 = vector.shape_cast %get3A_28 : vector<16xf32> to vector<1x16xf32>
      tpu.vector_store %arg5[%swap3A_432, %swap3A_433], %swap3A_436 {strides = array<i32>} : memref<64x1000xf32, #tpu.memory_space<vmem>>, vector<1x16xf32>,
      %swap3A_437 = arith.index_cast %scan3A_387 : i32 to index
      %swap3A_438 = arith.constant 160 : index
      %swap3A_439 = tpu.vector_load %arg5[%swap3A_437, %swap3A_438] {strides = array<i32>} : memref<64x1000xf32, #tpu.memory_space<vmem>>, vector<1x16xf32>,
      %swap3A_440 = vector.shape_cast %swap3A_439 : vector<1x16xf32> to vector<16xf32>
      %swap3A_441 = vector.shape_cast %get3A_31 : vector<16xf32> to vector<1x16xf32>
      tpu.vector_store %arg5[%swap3A_437, %swap3A_438], %swap3A_441 {strides = array<i32>} : memref<64x1000xf32, #tpu.memory_space<vmem>>, vector<1x16xf32>,
      %swap3A_442 = arith.index_cast %scan3A_387 : i32 to index
      %swap3A_443 = arith.constant 176 : index
      %swap3A_444 = tpu.vector_load %arg5[%swap3A_442, %swap3A_443] {strides = array<i32>} : memref<64x1000xf32, #tpu.memory_space<vmem>>, vector<1x16xf32>,
      %swap3A_445 = vector.shape_cast %swap3A_444 : vector<1x16xf32> to vector<16xf32>
      %swap3A_446 = vector.shape_cast %get3A_34 : vector<16xf32> to vector<1x16xf32>
      tpu.vector_store %arg5[%swap3A_442, %swap3A_443], %swap3A_446 {strides = array<i32>} : memref<64x1000xf32, #tpu.memory_space<vmem>>, vector<1x16xf32>,
      %swap3A_447 = arith.index_cast %scan3A_387 : i32 to index
      %swap3A_448 = arith.constant 192 : index
      %swap3A_449 = tpu.vector_load %arg5[%swap3A_447, %swap3A_448] {strides = array<i32>} : memref<64x1000xf32, #tpu.memory_space<vmem>>, vector<1x16xf32>,
      %swap3A_450 = vector.shape_cast %swap3A_449 : vector<1x16xf32> to vector<16xf32>
      %swap3A_451 = vector.shape_cast %get3A_37 : vector<16xf32> to vector<1x16xf32>
      tpu.vector_store %arg5[%swap3A_447, %swap3A_448], %swap3A_451 {strides = array<i32>} : memref<64x1000xf32, #tpu.memory_space<vmem>>, vector<1x16xf32>,
      %swap3A_452 = arith.index_cast %scan3A_387 : i32 to index
      %swap3A_453 = arith.constant 208 : index
      %swap3A_454 = tpu.vector_load %arg5[%swap3A_452, %swap3A_453] {strides = array<i32>} : memref<64x1000xf32, #tpu.memory_space<vmem>>, vector<1x16xf32>,
      %swap3A_455 = vector.shape_cast %swap3A_454 : vector<1x16xf32> to vector<16xf32>
      %swap3A_456 = vector.shape_cast %get3A_40 : vector<16xf32> to vector<1x16xf32>
      tpu.vector_store %arg5[%swap3A_452, %swap3A_453], %swap3A_456 {strides = array<i32>} : memref<64x1000xf32, #tpu.memory_space<vmem>>, vector<1x16xf32>,
      %swap3A_457 = arith.index_cast %scan3A_387 : i32 to index
      %swap3A_458 = arith.constant 224 : index
      %swap3A_459 = tpu.vector_load %arg5[%swap3A_457, %swap3A_458] {strides = array<i32>} : memref<64x1000xf32, #tpu.memory_space<vmem>>, vector<1x16xf32>,
      %swap3A_460 = vector.shape_cast %swap3A_459 : vector<1x16xf32> to vector<16xf32>
      %swap3A_461 = vector.shape_cast %get3A_43 : vector<16xf32> to vector<1x16xf32>
      tpu.vector_store %arg5[%swap3A_457, %swap3A_458], %swap3A_461 {strides = array<i32>} : memref<64x1000xf32, #tpu.memory_space<vmem>>, vector<1x16xf32>,
      %swap3A_462 = arith.index_cast %scan3A_387 : i32 to index
      %swap3A_463 = arith.constant 240 : index
      %swap3A_464 = tpu.vector_load %arg5[%swap3A_462, %swap3A_463] {strides = array<i32>} : memref<64x1000xf32, #tpu.memory_space<vmem>>, vector<1x16xf32>,
      %swap3A_465 = vector.shape_cast %swap3A_464 : vector<1x16xf32> to vector<16xf32>
      %swap3A_466 = vector.shape_cast %get3A_46 : vector<16xf32> to vector<1x16xf32>
      tpu.vector_store %arg5[%swap3A_462, %swap3A_463], %swap3A_466 {strides = array<i32>} : memref<64x1000xf32, #tpu.memory_space<vmem>>, vector<1x16xf32>,
      %swap3A_467 = arith.index_cast %scan3A_387 : i32 to index
      %swap3A_468 = arith.constant 256 : index
      %swap3A_469 = tpu.vector_load %arg5[%swap3A_467, %swap3A_468] {strides = array<i32>} : memref<64x1000xf32, #tpu.memory_space<vmem>>, vector<1x16xf32>,
      %swap3A_470 = vector.shape_cast %swap3A_469 : vector<1x16xf32> to vector<16xf32>
      %swap3A_471 = vector.shape_cast %get3A_49 : vector<16xf32> to vector<1x16xf32>
      tpu.vector_store %arg5[%swap3A_467, %swap3A_468], %swap3A_471 {strides = array<i32>} : memref<64x1000xf32, #tpu.memory_space<vmem>>, vector<1x16xf32>,
      %swap3A_472 = arith.index_cast %scan3A_387 : i32 to index
      %swap3A_473 = arith.constant 272 : index
      %swap3A_474 = tpu.vector_load %arg5[%swap3A_472, %swap3A_473] {strides = array<i32>} : memref<64x1000xf32, #tpu.memory_space<vmem>>, vector<1x16xf32>,
      %swap3A_475 = vector.shape_cast %swap3A_474 : vector<1x16xf32> to vector<16xf32>
      %swap3A_476 = vector.shape_cast %get3A_52 : vector<16xf32> to vector<1x16xf32>
      tpu.vector_store %arg5[%swap3A_472, %swap3A_473], %swap3A_476 {strides = array<i32>} : memref<64x1000xf32, #tpu.memory_space<vmem>>, vector<1x16xf32>,
      %swap3A_477 = arith.index_cast %scan3A_387 : i32 to index
      %swap3A_478 = arith.constant 288 : index
      %swap3A_479 = tpu.vector_load %arg5[%swap3A_477, %swap3A_478] {strides = array<i32>} : memref<64x1000xf32, #tpu.memory_space<vmem>>, vector<1x16xf32>,
      %swap3A_480 = vector.shape_cast %swap3A_479 : vector<1x16xf32> to vector<16xf32>
      %swap3A_481 = vector.shape_cast %get3A_55 : vector<16xf32> to vector<1x16xf32>
      tpu.vector_store %arg5[%swap3A_477, %swap3A_478], %swap3A_481 {strides = array<i32>} : memref<64x1000xf32, #tpu.memory_space<vmem>>, vector<1x16xf32>,
      %swap3A_482 = arith.index_cast %scan3A_387 : i32 to index
      %swap3A_483 = arith.constant 304 : index
      %swap3A_484 = tpu.vector_load %arg5[%swap3A_482, %swap3A_483] {strides = array<i32>} : memref<64x1000xf32, #tpu.memory_space<vmem>>, vector<1x16xf32>,
      %swap3A_485 = vector.shape_cast %swap3A_484 : vector<1x16xf32> to vector<16xf32>
      %swap3A_486 = vector.shape_cast %get3A_58 : vector<16xf32> to vector<1x16xf32>
      tpu.vector_store %arg5[%swap3A_482, %swap3A_483], %swap3A_486 {strides = array<i32>} : memref<64x1000xf32, #tpu.memory_space<vmem>>, vector<1x16xf32>,
      %swap3A_487 = arith.index_cast %scan3A_387 : i32 to index
      %swap3A_488 = arith.constant 320 : index
      %swap3A_489 = tpu.vector_load %arg5[%swap3A_487, %swap3A_488] {strides = array<i32>} : memref<64x1000xf32, #tpu.memory_space<vmem>>, vector<1x16xf32>,
      %swap3A_490 = vector.shape_cast %swap3A_489 : vector<1x16xf32> to vector<16xf32>
      %swap3A_491 = vector.shape_cast %get3A_61 : vector<16xf32> to vector<1x16xf32>
      tpu.vector_store %arg5[%swap3A_487, %swap3A_488], %swap3A_491 {strides = array<i32>} : memref<64x1000xf32, #tpu.memory_space<vmem>>, vector<1x16xf32>,
      %swap3A_492 = arith.index_cast %scan3A_387 : i32 to index
      %swap3A_493 = arith.constant 336 : index
      %swap3A_494 = tpu.vector_load %arg5[%swap3A_492, %swap3A_493] {strides = array<i32>} : memref<64x1000xf32, #tpu.memory_space<vmem>>, vector<1x16xf32>,
      %swap3A_495 = vector.shape_cast %swap3A_494 : vector<1x16xf32> to vector<16xf32>
      %swap3A_496 = vector.shape_cast %get3A_64 : vector<16xf32> to vector<1x16xf32>
      tpu.vector_store %arg5[%swap3A_492, %swap3A_493], %swap3A_496 {strides = array<i32>} : memref<64x1000xf32, #tpu.memory_space<vmem>>, vector<1x16xf32>,
      %swap3A_497 = arith.index_cast %scan3A_387 : i32 to index
      %swap3A_498 = arith.constant 352 : index
      %swap3A_499 = tpu.vector_load %arg5[%swap3A_497, %swap3A_498] {strides = array<i32>} : memref<64x1000xf32, #tpu.memory_space<vmem>>, vector<1x16xf32>,
      %swap3A_500 = vector.shape_cast %swap3A_499 : vector<1x16xf32> to vector<16xf32>
      %swap3A_501 = vector.shape_cast %get3A_67 : vector<16xf32> to vector<1x16xf32>
      tpu.vector_store %arg5[%swap3A_497, %swap3A_498], %swap3A_501 {strides = array<i32>} : memref<64x1000xf32, #tpu.memory_space<vmem>>, vector<1x16xf32>,
      %swap3A_502 = arith.index_cast %scan3A_387 : i32 to index
      %swap3A_503 = arith.constant 368 : index
      %swap3A_504 = tpu.vector_load %arg5[%swap3A_502, %swap3A_503] {strides = array<i32>} : memref<64x1000xf32, #tpu.memory_space<vmem>>, vector<1x16xf32>,
      %swap3A_505 = vector.shape_cast %swap3A_504 : vector<1x16xf32> to vector<16xf32>
      %swap3A_506 = vector.shape_cast %get3A_70 : vector<16xf32> to vector<1x16xf32>
      tpu.vector_store %arg5[%swap3A_502, %swap3A_503], %swap3A_506 {strides = array<i32>} : memref<64x1000xf32, #tpu.memory_space<vmem>>, vector<1x16xf32>,
      %swap3A_507 = arith.index_cast %scan3A_387 : i32 to index
      %swap3A_508 = arith.constant 384 : index
      %swap3A_509 = tpu.vector_load %arg5[%swap3A_507, %swap3A_508] {strides = array<i32>} : memref<64x1000xf32, #tpu.memory_space<vmem>>, vector<1x16xf32>,
      %swap3A_510 = vector.shape_cast %swap3A_509 : vector<1x16xf32> to vector<16xf32>
      %swap3A_511 = vector.shape_cast %get3A_73 : vector<16xf32> to vector<1x16xf32>
      tpu.vector_store %arg5[%swap3A_507, %swap3A_508], %swap3A_511 {strides = array<i32>} : memref<64x1000xf32, #tpu.memory_space<vmem>>, vector<1x16xf32>,
      %swap3A_512 = arith.index_cast %scan3A_387 : i32 to index
      %swap3A_513 = arith.constant 400 : index
      %swap3A_514 = tpu.vector_load %arg5[%swap3A_512, %swap3A_513] {strides = array<i32>} : memref<64x1000xf32, #tpu.memory_space<vmem>>, vector<1x16xf32>,
      %swap3A_515 = vector.shape_cast %swap3A_514 : vector<1x16xf32> to vector<16xf32>
      %swap3A_516 = vector.shape_cast %get3A_76 : vector<16xf32> to vector<1x16xf32>
      tpu.vector_store %arg5[%swap3A_512, %swap3A_513], %swap3A_516 {strides = array<i32>} : memref<64x1000xf32, #tpu.memory_space<vmem>>, vector<1x16xf32>,
      %swap3A_517 = arith.index_cast %scan3A_387 : i32 to index
      %swap3A_518 = arith.constant 416 : index
      %swap3A_519 = tpu.vector_load %arg5[%swap3A_517, %swap3A_518] {strides = array<i32>} : memref<64x1000xf32, #tpu.memory_space<vmem>>, vector<1x16xf32>,
      %swap3A_520 = vector.shape_cast %swap3A_519 : vector<1x16xf32> to vector<16xf32>
      %swap3A_521 = vector.shape_cast %get3A_79 : vector<16xf32> to vector<1x16xf32>
      tpu.vector_store %arg5[%swap3A_517, %swap3A_518], %swap3A_521 {strides = array<i32>} : memref<64x1000xf32, #tpu.memory_space<vmem>>, vector<1x16xf32>,
      %swap3A_522 = arith.index_cast %scan3A_387 : i32 to index
      %swap3A_523 = arith.constant 432 : index
      %swap3A_524 = tpu.vector_load %arg5[%swap3A_522, %swap3A_523] {strides = array<i32>} : memref<64x1000xf32, #tpu.memory_space<vmem>>, vector<1x16xf32>,
      %swap3A_525 = vector.shape_cast %swap3A_524 : vector<1x16xf32> to vector<16xf32>
      %swap3A_526 = vector.shape_cast %get3A_82 : vector<16xf32> to vector<1x16xf32>
      tpu.vector_store %arg5[%swap3A_522, %swap3A_523], %swap3A_526 {strides = array<i32>} : memref<64x1000xf32, #tpu.memory_space<vmem>>, vector<1x16xf32>,
      %swap3A_527 = arith.index_cast %scan3A_387 : i32 to index
      %swap3A_528 = arith.constant 448 : index
      %swap3A_529 = tpu.vector_load %arg5[%swap3A_527, %swap3A_528] {strides = array<i32>} : memref<64x1000xf32, #tpu.memory_space<vmem>>, vector<1x16xf32>,
      %swap3A_530 = vector.shape_cast %swap3A_529 : vector<1x16xf32> to vector<16xf32>
      %swap3A_531 = vector.shape_cast %get3A_85 : vector<16xf32> to vector<1x16xf32>
      tpu.vector_store %arg5[%swap3A_527, %swap3A_528], %swap3A_531 {strides = array<i32>} : memref<64x1000xf32, #tpu.memory_space<vmem>>, vector<1x16xf32>,
      %swap3A_532 = arith.index_cast %scan3A_387 : i32 to index
      %swap3A_533 = arith.constant 464 : index
      %swap3A_534 = tpu.vector_load %arg5[%swap3A_532, %swap3A_533] {strides = array<i32>} : memref<64x1000xf32, #tpu.memory_space<vmem>>, vector<1x16xf32>,
      %swap3A_535 = vector.shape_cast %swap3A_534 : vector<1x16xf32> to vector<16xf32>
      %swap3A_536 = vector.shape_cast %get3A_88 : vector<16xf32> to vector<1x16xf32>
      tpu.vector_store %arg5[%swap3A_532, %swap3A_533], %swap3A_536 {strides = array<i32>} : memref<64x1000xf32, #tpu.memory_space<vmem>>, vector<1x16xf32>,
      %swap3A_537 = arith.index_cast %scan3A_387 : i32 to index
      %swap3A_538 = arith.constant 480 : index
      %swap3A_539 = tpu.vector_load %arg5[%swap3A_537, %swap3A_538] {strides = array<i32>} : memref<64x1000xf32, #tpu.memory_space<vmem>>, vector<1x16xf32>,
      %swap3A_540 = vector.shape_cast %swap3A_539 : vector<1x16xf32> to vector<16xf32>
      %swap3A_541 = vector.shape_cast %get3A_91 : vector<16xf32> to vector<1x16xf32>
      tpu.vector_store %arg5[%swap3A_537, %swap3A_538], %swap3A_541 {strides = array<i32>} : memref<64x1000xf32, #tpu.memory_space<vmem>>, vector<1x16xf32>,
      %swap3A_542 = arith.index_cast %scan3A_387 : i32 to index
      %swap3A_543 = arith.constant 496 : index
      %swap3A_544 = tpu.vector_load %arg5[%swap3A_542, %swap3A_543] {strides = array<i32>} : memref<64x1000xf32, #tpu.memory_space<vmem>>, vector<1x16xf32>,
      %swap3A_545 = vector.shape_cast %swap3A_544 : vector<1x16xf32> to vector<16xf32>
      %swap3A_546 = vector.shape_cast %get3A_94 : vector<16xf32> to vector<1x16xf32>
      tpu.vector_store %arg5[%swap3A_542, %swap3A_543], %swap3A_546 {strides = array<i32>} : memref<64x1000xf32, #tpu.memory_space<vmem>>, vector<1x16xf32>,
      %swap3A_547 = arith.index_cast %scan3A_387 : i32 to index
      %swap3A_548 = arith.constant 512 : index
      %swap3A_549 = tpu.vector_load %arg5[%swap3A_547, %swap3A_548] {strides = array<i32>} : memref<64x1000xf32, #tpu.memory_space<vmem>>, vector<1x16xf32>,
      %swap3A_550 = vector.shape_cast %swap3A_549 : vector<1x16xf32> to vector<16xf32>
      %swap3A_551 = vector.shape_cast %get3A_97 : vector<16xf32> to vector<1x16xf32>
      tpu.vector_store %arg5[%swap3A_547, %swap3A_548], %swap3A_551 {strides = array<i32>} : memref<64x1000xf32, #tpu.memory_space<vmem>>, vector<1x16xf32>,
      %swap3A_552 = arith.index_cast %scan3A_387 : i32 to index
      %swap3A_553 = arith.constant 528 : index
      %swap3A_554 = tpu.vector_load %arg5[%swap3A_552, %swap3A_553] {strides = array<i32>} : memref<64x1000xf32, #tpu.memory_space<vmem>>, vector<1x16xf32>,
      %swap3A_555 = vector.shape_cast %swap3A_554 : vector<1x16xf32> to vector<16xf32>
      %swap3A_556 = vector.shape_cast %get3A_100 : vector<16xf32> to vector<1x16xf32>
      tpu.vector_store %arg5[%swap3A_552, %swap3A_553], %swap3A_556 {strides = array<i32>} : memref<64x1000xf32, #tpu.memory_space<vmem>>, vector<1x16xf32>,
      %swap3A_557 = arith.index_cast %scan3A_387 : i32 to index
      %swap3A_558 = arith.constant 544 : index
      %swap3A_559 = tpu.vector_load %arg5[%swap3A_557, %swap3A_558] {strides = array<i32>} : memref<64x1000xf32, #tpu.memory_space<vmem>>, vector<1x16xf32>,
      %swap3A_560 = vector.shape_cast %swap3A_559 : vector<1x16xf32> to vector<16xf32>
      %swap3A_561 = vector.shape_cast %get3A_103 : vector<16xf32> to vector<1x16xf32>
      tpu.vector_store %arg5[%swap3A_557, %swap3A_558], %swap3A_561 {strides = array<i32>} : memref<64x1000xf32, #tpu.memory_space<vmem>>, vector<1x16xf32>,
      %swap3A_562 = arith.index_cast %scan3A_387 : i32 to index
      %swap3A_563 = arith.constant 560 : index
      %swap3A_564 = tpu.vector_load %arg5[%swap3A_562, %swap3A_563] {strides = array<i32>} : memref<64x1000xf32, #tpu.memory_space<vmem>>, vector<1x16xf32>,
      %swap3A_565 = vector.shape_cast %swap3A_564 : vector<1x16xf32> to vector<16xf32>
      %swap3A_566 = vector.shape_cast %get3A_106 : vector<16xf32> to vector<1x16xf32>
      tpu.vector_store %arg5[%swap3A_562, %swap3A_563], %swap3A_566 {strides = array<i32>} : memref<64x1000xf32, #tpu.memory_space<vmem>>, vector<1x16xf32>,
      %swap3A_567 = arith.index_cast %scan3A_387 : i32 to index
      %swap3A_568 = arith.constant 576 : index
      %swap3A_569 = tpu.vector_load %arg5[%swap3A_567, %swap3A_568] {strides = array<i32>} : memref<64x1000xf32, #tpu.memory_space<vmem>>, vector<1x16xf32>,
      %swap3A_570 = vector.shape_cast %swap3A_569 : vector<1x16xf32> to vector<16xf32>
      %swap3A_571 = vector.shape_cast %get3A_109 : vector<16xf32> to vector<1x16xf32>
      tpu.vector_store %arg5[%swap3A_567, %swap3A_568], %swap3A_571 {strides = array<i32>} : memref<64x1000xf32, #tpu.memory_space<vmem>>, vector<1x16xf32>,
      %swap3A_572 = arith.index_cast %scan3A_387 : i32 to index
      %swap3A_573 = arith.constant 592 : index
      %swap3A_574 = tpu.vector_load %arg5[%swap3A_572, %swap3A_573] {strides = array<i32>} : memref<64x1000xf32, #tpu.memory_space<vmem>>, vector<1x16xf32>,
      %swap3A_575 = vector.shape_cast %swap3A_574 : vector<1x16xf32> to vector<16xf32>
      %swap3A_576 = vector.shape_cast %get3A_112 : vector<16xf32> to vector<1x16xf32>
      tpu.vector_store %arg5[%swap3A_572, %swap3A_573], %swap3A_576 {strides = array<i32>} : memref<64x1000xf32, #tpu.memory_space<vmem>>, vector<1x16xf32>,
      %swap3A_577 = arith.index_cast %scan3A_387 : i32 to index
      %swap3A_578 = arith.constant 608 : index
      %swap3A_579 = tpu.vector_load %arg5[%swap3A_577, %swap3A_578] {strides = array<i32>} : memref<64x1000xf32, #tpu.memory_space<vmem>>, vector<1x16xf32>,
      %swap3A_580 = vector.shape_cast %swap3A_579 : vector<1x16xf32> to vector<16xf32>
      %swap3A_581 = vector.shape_cast %get3A_115 : vector<16xf32> to vector<1x16xf32>
      tpu.vector_store %arg5[%swap3A_577, %swap3A_578], %swap3A_581 {strides = array<i32>} : memref<64x1000xf32, #tpu.memory_space<vmem>>, vector<1x16xf32>,
      %swap3A_582 = arith.index_cast %scan3A_387 : i32 to index
      %swap3A_583 = arith.constant 624 : index
      %swap3A_584 = tpu.vector_load %arg5[%swap3A_582, %swap3A_583] {strides = array<i32>} : memref<64x1000xf32, #tpu.memory_space<vmem>>, vector<1x16xf32>,
      %swap3A_585 = vector.shape_cast %swap3A_584 : vector<1x16xf32> to vector<16xf32>
      %swap3A_586 = vector.shape_cast %get3A_118 : vector<16xf32> to vector<1x16xf32>
      tpu.vector_store %arg5[%swap3A_582, %swap3A_583], %swap3A_586 {strides = array<i32>} : memref<64x1000xf32, #tpu.memory_space<vmem>>, vector<1x16xf32>,
      %swap3A_587 = arith.index_cast %scan3A_387 : i32 to index
      %swap3A_588 = arith.constant 640 : index
      %swap3A_589 = tpu.vector_load %arg5[%swap3A_587, %swap3A_588] {strides = array<i32>} : memref<64x1000xf32, #tpu.memory_space<vmem>>, vector<1x16xf32>,
      %swap3A_590 = vector.shape_cast %swap3A_589 : vector<1x16xf32> to vector<16xf32>
      %swap3A_591 = vector.shape_cast %get3A_121 : vector<16xf32> to vector<1x16xf32>
      tpu.vector_store %arg5[%swap3A_587, %swap3A_588], %swap3A_591 {strides = array<i32>} : memref<64x1000xf32, #tpu.memory_space<vmem>>, vector<1x16xf32>,
      %swap3A_592 = arith.index_cast %scan3A_387 : i32 to index
      %swap3A_593 = arith.constant 656 : index
      %swap3A_594 = tpu.vector_load %arg5[%swap3A_592, %swap3A_593] {strides = array<i32>} : memref<64x1000xf32, #tpu.memory_space<vmem>>, vector<1x16xf32>,
      %swap3A_595 = vector.shape_cast %swap3A_594 : vector<1x16xf32> to vector<16xf32>
      %swap3A_596 = vector.shape_cast %get3A_124 : vector<16xf32> to vector<1x16xf32>
      tpu.vector_store %arg5[%swap3A_592, %swap3A_593], %swap3A_596 {strides = array<i32>} : memref<64x1000xf32, #tpu.memory_space<vmem>>, vector<1x16xf32>,
      %swap3A_597 = arith.index_cast %scan3A_387 : i32 to index
      %swap3A_598 = arith.constant 672 : index
      %swap3A_599 = tpu.vector_load %arg5[%swap3A_597, %swap3A_598] {strides = array<i32>} : memref<64x1000xf32, #tpu.memory_space<vmem>>, vector<1x16xf32>,
      %swap3A_600 = vector.shape_cast %swap3A_599 : vector<1x16xf32> to vector<16xf32>
      %swap3A_601 = vector.shape_cast %get3A_127 : vector<16xf32> to vector<1x16xf32>
      tpu.vector_store %arg5[%swap3A_597, %swap3A_598], %swap3A_601 {strides = array<i32>} : memref<64x1000xf32, #tpu.memory_space<vmem>>, vector<1x16xf32>,
      %swap3A_602 = arith.index_cast %scan3A_387 : i32 to index
      %swap3A_603 = arith.constant 688 : index
      %swap3A_604 = tpu.vector_load %arg5[%swap3A_602, %swap3A_603] {strides = array<i32>} : memref<64x1000xf32, #tpu.memory_space<vmem>>, vector<1x16xf32>,
      %swap3A_605 = vector.shape_cast %swap3A_604 : vector<1x16xf32> to vector<16xf32>
      %swap3A_606 = vector.shape_cast %get3A_130 : vector<16xf32> to vector<1x16xf32>
      tpu.vector_store %arg5[%swap3A_602, %swap3A_603], %swap3A_606 {strides = array<i32>} : memref<64x1000xf32, #tpu.memory_space<vmem>>, vector<1x16xf32>,
      %swap3A_607 = arith.index_cast %scan3A_387 : i32 to index
      %swap3A_608 = arith.constant 704 : index
      %swap3A_609 = tpu.vector_load %arg5[%swap3A_607, %swap3A_608] {strides = array<i32>} : memref<64x1000xf32, #tpu.memory_space<vmem>>, vector<1x16xf32>,
      %swap3A_610 = vector.shape_cast %swap3A_609 : vector<1x16xf32> to vector<16xf32>
      %swap3A_611 = vector.shape_cast %get3A_133 : vector<16xf32> to vector<1x16xf32>
      tpu.vector_store %arg5[%swap3A_607, %swap3A_608], %swap3A_611 {strides = array<i32>} : memref<64x1000xf32, #tpu.memory_space<vmem>>, vector<1x16xf32>,
      %swap3A_612 = arith.index_cast %scan3A_387 : i32 to index
      %swap3A_613 = arith.constant 720 : index
      %swap3A_614 = tpu.vector_load %arg5[%swap3A_612, %swap3A_613] {strides = array<i32>} : memref<64x1000xf32, #tpu.memory_space<vmem>>, vector<1x16xf32>,
      %swap3A_615 = vector.shape_cast %swap3A_614 : vector<1x16xf32> to vector<16xf32>
      %swap3A_616 = vector.shape_cast %get3A_136 : vector<16xf32> to vector<1x16xf32>
      tpu.vector_store %arg5[%swap3A_612, %swap3A_613], %swap3A_616 {strides = array<i32>} : memref<64x1000xf32, #tpu.memory_space<vmem>>, vector<1x16xf32>,
      %swap3A_617 = arith.index_cast %scan3A_387 : i32 to index
      %swap3A_618 = arith.constant 736 : index
      %swap3A_619 = tpu.vector_load %arg5[%swap3A_617, %swap3A_618] {strides = array<i32>} : memref<64x1000xf32, #tpu.memory_space<vmem>>, vector<1x16xf32>,
      %swap3A_620 = vector.shape_cast %swap3A_619 : vector<1x16xf32> to vector<16xf32>
      %swap3A_621 = vector.shape_cast %get3A_139 : vector<16xf32> to vector<1x16xf32>
      tpu.vector_store %arg5[%swap3A_617, %swap3A_618], %swap3A_621 {strides = array<i32>} : memref<64x1000xf32, #tpu.memory_space<vmem>>, vector<1x16xf32>,
      %swap3A_622 = arith.index_cast %scan3A_387 : i32 to index
      %swap3A_623 = arith.constant 752 : index
      %swap3A_624 = tpu.vector_load %arg5[%swap3A_622, %swap3A_623] {strides = array<i32>} : memref<64x1000xf32, #tpu.memory_space<vmem>>, vector<1x16xf32>,
      %swap3A_625 = vector.shape_cast %swap3A_624 : vector<1x16xf32> to vector<16xf32>
      %swap3A_626 = vector.shape_cast %get3A_142 : vector<16xf32> to vector<1x16xf32>
      tpu.vector_store %arg5[%swap3A_622, %swap3A_623], %swap3A_626 {strides = array<i32>} : memref<64x1000xf32, #tpu.memory_space<vmem>>, vector<1x16xf32>,
      %swap3A_627 = arith.index_cast %scan3A_387 : i32 to index
      %swap3A_628 = arith.constant 768 : index
      %swap3A_629 = tpu.vector_load %arg5[%swap3A_627, %swap3A_628] {strides = array<i32>} : memref<64x1000xf32, #tpu.memory_space<vmem>>, vector<1x16xf32>,
      %swap3A_630 = vector.shape_cast %swap3A_629 : vector<1x16xf32> to vector<16xf32>
      %swap3A_631 = vector.shape_cast %get3A_145 : vector<16xf32> to vector<1x16xf32>
      tpu.vector_store %arg5[%swap3A_627, %swap3A_628], %swap3A_631 {strides = array<i32>} : memref<64x1000xf32, #tpu.memory_space<vmem>>, vector<1x16xf32>,
      %swap3A_632 = arith.index_cast %scan3A_387 : i32 to index
      %swap3A_633 = arith.constant 784 : index
      %swap3A_634 = tpu.vector_load %arg5[%swap3A_632, %swap3A_633] {strides = array<i32>} : memref<64x1000xf32, #tpu.memory_space<vmem>>, vector<1x16xf32>,
      %swap3A_635 = vector.shape_cast %swap3A_634 : vector<1x16xf32> to vector<16xf32>
      %swap3A_636 = vector.shape_cast %get3A_148 : vector<16xf32> to vector<1x16xf32>
      tpu.vector_store %arg5[%swap3A_632, %swap3A_633], %swap3A_636 {strides = array<i32>} : memref<64x1000xf32, #tpu.memory_space<vmem>>, vector<1x16xf32>,
      %swap3A_637 = arith.index_cast %scan3A_387 : i32 to index
      %swap3A_638 = arith.constant 800 : index
      %swap3A_639 = tpu.vector_load %arg5[%swap3A_637, %swap3A_638] {strides = array<i32>} : memref<64x1000xf32, #tpu.memory_space<vmem>>, vector<1x16xf32>,
      %swap3A_640 = vector.shape_cast %swap3A_639 : vector<1x16xf32> to vector<16xf32>
      %swap3A_641 = vector.shape_cast %get3A_151 : vector<16xf32> to vector<1x16xf32>
      tpu.vector_store %arg5[%swap3A_637, %swap3A_638], %swap3A_641 {strides = array<i32>} : memref<64x1000xf32, #tpu.memory_space<vmem>>, vector<1x16xf32>,
      %swap3A_642 = arith.index_cast %scan3A_387 : i32 to index
      %swap3A_643 = arith.constant 816 : index
      %swap3A_644 = tpu.vector_load %arg5[%swap3A_642, %swap3A_643] {strides = array<i32>} : memref<64x1000xf32, #tpu.memory_space<vmem>>, vector<1x16xf32>,
      %swap3A_645 = vector.shape_cast %swap3A_644 : vector<1x16xf32> to vector<16xf32>
      %swap3A_646 = vector.shape_cast %get3A_154 : vector<16xf32> to vector<1x16xf32>
      tpu.vector_store %arg5[%swap3A_642, %swap3A_643], %swap3A_646 {strides = array<i32>} : memref<64x1000xf32, #tpu.memory_space<vmem>>, vector<1x16xf32>,
      %swap3A_647 = arith.index_cast %scan3A_387 : i32 to index
      %swap3A_648 = arith.constant 832 : index
      %swap3A_649 = tpu.vector_load %arg5[%swap3A_647, %swap3A_648] {strides = array<i32>} : memref<64x1000xf32, #tpu.memory_space<vmem>>, vector<1x16xf32>,
      %swap3A_650 = vector.shape_cast %swap3A_649 : vector<1x16xf32> to vector<16xf32>
      %swap3A_651 = vector.shape_cast %get3A_157 : vector<16xf32> to vector<1x16xf32>
      tpu.vector_store %arg5[%swap3A_647, %swap3A_648], %swap3A_651 {strides = array<i32>} : memref<64x1000xf32, #tpu.memory_space<vmem>>, vector<1x16xf32>,
      %swap3A_652 = arith.index_cast %scan3A_387 : i32 to index
      %swap3A_653 = arith.constant 848 : index
      %swap3A_654 = tpu.vector_load %arg5[%swap3A_652, %swap3A_653] {strides = array<i32>} : memref<64x1000xf32, #tpu.memory_space<vmem>>, vector<1x16xf32>,
      %swap3A_655 = vector.shape_cast %swap3A_654 : vector<1x16xf32> to vector<16xf32>
      %swap3A_656 = vector.shape_cast %get3A_160 : vector<16xf32> to vector<1x16xf32>
      tpu.vector_store %arg5[%swap3A_652, %swap3A_653], %swap3A_656 {strides = array<i32>} : memref<64x1000xf32, #tpu.memory_space<vmem>>, vector<1x16xf32>,
      %swap3A_657 = arith.index_cast %scan3A_387 : i32 to index
      %swap3A_658 = arith.constant 864 : index
      %swap3A_659 = tpu.vector_load %arg5[%swap3A_657, %swap3A_658] {strides = array<i32>} : memref<64x1000xf32, #tpu.memory_space<vmem>>, vector<1x16xf32>,
      %swap3A_660 = vector.shape_cast %swap3A_659 : vector<1x16xf32> to vector<16xf32>
      %swap3A_661 = vector.shape_cast %get3A_163 : vector<16xf32> to vector<1x16xf32>
      tpu.vector_store %arg5[%swap3A_657, %swap3A_658], %swap3A_661 {strides = array<i32>} : memref<64x1000xf32, #tpu.memory_space<vmem>>, vector<1x16xf32>,
      %swap3A_662 = arith.index_cast %scan3A_387 : i32 to index
      %swap3A_663 = arith.constant 880 : index
      %swap3A_664 = tpu.vector_load %arg5[%swap3A_662, %swap3A_663] {strides = array<i32>} : memref<64x1000xf32, #tpu.memory_space<vmem>>, vector<1x16xf32>,
      %swap3A_665 = vector.shape_cast %swap3A_664 : vector<1x16xf32> to vector<16xf32>
      %swap3A_666 = vector.shape_cast %get3A_166 : vector<16xf32> to vector<1x16xf32>
      tpu.vector_store %arg5[%swap3A_662, %swap3A_663], %swap3A_666 {strides = array<i32>} : memref<64x1000xf32, #tpu.memory_space<vmem>>, vector<1x16xf32>,
      %swap3A_667 = arith.index_cast %scan3A_387 : i32 to index
      %swap3A_668 = arith.constant 896 : index
      %swap3A_669 = tpu.vector_load %arg5[%swap3A_667, %swap3A_668] {strides = array<i32>} : memref<64x1000xf32, #tpu.memory_space<vmem>>, vector<1x16xf32>,
      %swap3A_670 = vector.shape_cast %swap3A_669 : vector<1x16xf32> to vector<16xf32>
      %swap3A_671 = vector.shape_cast %get3A_169 : vector<16xf32> to vector<1x16xf32>
      tpu.vector_store %arg5[%swap3A_667, %swap3A_668], %swap3A_671 {strides = array<i32>} : memref<64x1000xf32, #tpu.memory_space<vmem>>, vector<1x16xf32>,
      %swap3A_672 = arith.index_cast %scan3A_387 : i32 to index
      %swap3A_673 = arith.constant 912 : index
      %swap3A_674 = tpu.vector_load %arg5[%swap3A_672, %swap3A_673] {strides = array<i32>} : memref<64x1000xf32, #tpu.memory_space<vmem>>, vector<1x16xf32>,
      %swap3A_675 = vector.shape_cast %swap3A_674 : vector<1x16xf32> to vector<16xf32>
      %swap3A_676 = vector.shape_cast %get3A_172 : vector<16xf32> to vector<1x16xf32>
      tpu.vector_store %arg5[%swap3A_672, %swap3A_673], %swap3A_676 {strides = array<i32>} : memref<64x1000xf32, #tpu.memory_space<vmem>>, vector<1x16xf32>,
      %swap3A_677 = arith.index_cast %scan3A_387 : i32 to index
      %swap3A_678 = arith.constant 928 : index
      %swap3A_679 = tpu.vector_load %arg5[%swap3A_677, %swap3A_678] {strides = array<i32>} : memref<64x1000xf32, #tpu.memory_space<vmem>>, vector<1x16xf32>,
      %swap3A_680 = vector.shape_cast %swap3A_679 : vector<1x16xf32> to vector<16xf32>
      %swap3A_681 = vector.shape_cast %get3A_175 : vector<16xf32> to vector<1x16xf32>
      tpu.vector_store %arg5[%swap3A_677, %swap3A_678], %swap3A_681 {strides = array<i32>} : memref<64x1000xf32, #tpu.memory_space<vmem>>, vector<1x16xf32>,
      %swap3A_682 = arith.index_cast %scan3A_387 : i32 to index
      %swap3A_683 = arith.constant 944 : index
      %swap3A_684 = tpu.vector_load %arg5[%swap3A_682, %swap3A_683] {strides = array<i32>} : memref<64x1000xf32, #tpu.memory_space<vmem>>, vector<1x16xf32>,
      %swap3A_685 = vector.shape_cast %swap3A_684 : vector<1x16xf32> to vector<16xf32>
      %swap3A_686 = vector.shape_cast %get3A_178 : vector<16xf32> to vector<1x16xf32>
      tpu.vector_store %arg5[%swap3A_682, %swap3A_683], %swap3A_686 {strides = array<i32>} : memref<64x1000xf32, #tpu.memory_space<vmem>>, vector<1x16xf32>,
      %swap3A_687 = arith.index_cast %scan3A_387 : i32 to index
      %swap3A_688 = arith.constant 960 : index
      %swap3A_689 = tpu.vector_load %arg5[%swap3A_687, %swap3A_688] {strides = array<i32>} : memref<64x1000xf32, #tpu.memory_space<vmem>>, vector<1x16xf32>,
      %swap3A_690 = vector.shape_cast %swap3A_689 : vector<1x16xf32> to vector<16xf32>
      %swap3A_691 = vector.shape_cast %get3A_181 : vector<16xf32> to vector<1x16xf32>
      tpu.vector_store %arg5[%swap3A_687, %swap3A_688], %swap3A_691 {strides = array<i32>} : memref<64x1000xf32, #tpu.memory_space<vmem>>, vector<1x16xf32>,
      %swap3A_692 = arith.index_cast %scan3A_387 : i32 to index
      %swap3A_693 = arith.constant 976 : index
      %swap3A_694 = tpu.vector_load %arg5[%swap3A_692, %swap3A_693] {strides = array<i32>} : memref<64x1000xf32, #tpu.memory_space<vmem>>, vector<1x16xf32>,
      %swap3A_695 = vector.shape_cast %swap3A_694 : vector<1x16xf32> to vector<16xf32>
      %swap3A_696 = vector.shape_cast %get3A_184 : vector<16xf32> to vector<1x16xf32>
      tpu.vector_store %arg5[%swap3A_692, %swap3A_693], %swap3A_696 {strides = array<i32>} : memref<64x1000xf32, #tpu.memory_space<vmem>>, vector<1x16xf32>,
      %swap3A_697 = arith.index_cast %scan3A_387 : i32 to index
      %swap3A_698 = arith.constant 984 : index
      %swap3A_699 = tpu.vector_load %arg5[%swap3A_697, %swap3A_698] {strides = array<i32>} : memref<64x1000xf32, #tpu.memory_space<vmem>>, vector<1x16xf32>,
      %swap3A_700 = vector.shape_cast %swap3A_699 : vector<1x16xf32> to vector<16xf32>
      %swap3A_701 = vector.shape_cast %get3A_187 : vector<16xf32> to vector<1x16xf32>
      tpu.vector_store %arg5[%swap3A_697, %swap3A_698], %swap3A_701 {strides = array<i32>} : memref<64x1000xf32, #tpu.memory_space<vmem>>, vector<1x16xf32>,
    }
    %scan3A_192 = arith.constant 64 : i32
    %mul3A = arith.constant 129 : i32
    %mul3A_193 = arith.muli %arg0, %mul3A : i32
    %add3A = arith.constant 0 : i32
    %add3A_194 = arith.addi %arg1, %add3A : i32
    %add3A_195 = arith.addi %mul3A_193, %add3A_194 : i32
    %lt3A = arith.constant 129 : i32
    %lt3A_196 = arith.cmpi slt, %add3A_194, %lt3A : i32
    %lt3A_197 = arith.constant 257 : i32
    %lt3A_198 = arith.cmpi slt, %add3A_195, %lt3A_197 : i32
    %and3A = arith.andi %lt3A_196, %lt3A_198 : i1
    %convert_element_type3A = arith.extui %and3A : i1 to i32
    %cond3A = arith.constant 0 : i32
    %cond3A_199 = arith.cmpi ne, %convert_element_type3A, %cond3A : i32
    scf.if %cond3A_199 {
      %dma_start3A = arith.constant 0 : i32
      %dma_start3A_387 = arith.constant 0 : i32
      %dma_start3A_388 = tpu.memref_slice %arg3[%add3A_195, %dma_start3A, %dma_start3A_387] : memref<257x128x1000xf32, #tpu.memory_space<hbm>> -> memref<1x64x1000xf32, #tpu.memory_space<hbm>>
      %dma_start3A_389 = tpu.memref_squeeze %dma_start3A_388 : memref<1x64x1000xf32, #tpu.memory_space<hbm>> -> memref<64x1000xf32, #tpu.memory_space<hbm>>
      %dma_start3A_390 = arith.constant 0 : i32
      %dma_start3A_391 = arith.constant 0 : i32
      %dma_start3A_392 = tpu.memref_slice %arg3[%add3A_195, %dma_start3A_390, %dma_start3A_391] : memref<257x128x1000xf32, #tpu.memory_space<hbm>> -> memref<1x64x1000xf32, #tpu.memory_space<hbm>>
      %dma_start3A_393 = tpu.memref_squeeze %dma_start3A_392 : memref<1x64x1000xf32, #tpu.memory_space<hbm>> -> memref<64x1000xf32, #tpu.memory_space<hbm>>
      tpu.enqueue_dma source(%arg5 : memref<64x1000xf32, #tpu.memory_space<vmem>>) target(%dma_start3A_393 : memref<64x1000xf32, #tpu.memory_space<hbm>>) target_semaphore(%arg6 : memref<!tpu.dma_semaphore, #tpu.memory_space<semaphore_mem>>)
      %dma_start3A_394 = arith.constant 64 : i32
      %dma_start3A_395 = arith.constant 0 : i32
      %dma_start3A_396 = tpu.memref_slice %arg3[%add3A_195, %dma_start3A_394, %dma_start3A_395] : memref<257x128x1000xf32, #tpu.memory_space<hbm>> -> memref<1x64x1000xf32, #tpu.memory_space<hbm>>
      %dma_start3A_397 = tpu.memref_squeeze %dma_start3A_396 : memref<1x64x1000xf32, #tpu.memory_space<hbm>> -> memref<64x1000xf32, #tpu.memory_space<hbm>>
      %dma_start3A_398 = arith.constant 64 : i32
      %dma_start3A_399 = arith.constant 0 : i32
      %dma_start3A_400 = tpu.memref_slice %arg3[%add3A_195, %dma_start3A_398, %dma_start3A_399] : memref<257x128x1000xf32, #tpu.memory_space<hbm>> -> memref<1x64x1000xf32, #tpu.memory_space<hbm>>
      %dma_start3A_401 = tpu.memref_squeeze %dma_start3A_400 : memref<1x64x1000xf32, #tpu.memory_space<hbm>> -> memref<64x1000xf32, #tpu.memory_space<hbm>>
      tpu.enqueue_dma source(%arg5 : memref<64x1000xf32, #tpu.memory_space<vmem>>) target(%dma_start3A_401 : memref<64x1000xf32, #tpu.memory_space<hbm>>) target_semaphore(%arg6 : memref<!tpu.dma_semaphore, #tpu.memory_space<semaphore_mem>>)
    } else {
    }
    %add3A_200 = arith.constant 16 : i32
    %add3A_201 = arith.addi %arg1, %add3A_200 : i32
    %add3A_202 = arith.addi %mul3A_193, %add3A_201 : i32
    %lt3A_203 = arith.constant 129 : i32
    %lt3A_204 = arith.cmpi slt, %add3A_201, %lt3A_203 : i32
    %lt3A_205 = arith.constant 257 : i32
    %lt3A_206 = arith.cmpi slt, %add3A_202, %lt3A_205 : i32
    %and3A_207 = arith.andi %lt3A_204, %lt3A_206 : i1
    %convert_element_type3A_208 = arith.extui %and3A_207 : i1 to i32
    %cond3A_209 = arith.constant 0 : i32
    %cond3A_210 = arith.cmpi ne, %convert_element_type3A_208, %cond3A_209 : i32
    scf.if %cond3A_210 {
      %dma_start3A = arith.constant 0 : i32
      %dma_start3A_387 = arith.constant 0 : i32
      %dma_start3A_388 = tpu.memref_slice %arg3[%add3A_202, %dma_start3A, %dma_start3A_387] : memref<257x128x1000xf32, #tpu.memory_space<hbm>> -> memref<1x64x1000xf32, #tpu.memory_space<hbm>>
      %dma_start3A_389 = tpu.memref_squeeze %dma_start3A_388 : memref<1x64x1000xf32, #tpu.memory_space<hbm>> -> memref<64x1000xf32, #tpu.memory_space<hbm>>
      %dma_start3A_390 = arith.constant 0 : i32
      %dma_start3A_391 = arith.constant 0 : i32
      %dma_start3A_392 = tpu.memref_slice %arg3[%add3A_202, %dma_start3A_390, %dma_start3A_391] : memref<257x128x1000xf32, #tpu.memory_space<hbm>> -> memref<1x64x1000xf32, #tpu.memory_space<hbm>>
      %dma_start3A_393 = tpu.memref_squeeze %dma_start3A_392 : memref<1x64x1000xf32, #tpu.memory_space<hbm>> -> memref<64x1000xf32, #tpu.memory_space<hbm>>
      tpu.enqueue_dma source(%arg5 : memref<64x1000xf32, #tpu.memory_space<vmem>>) target(%dma_start3A_393 : memref<64x1000xf32, #tpu.memory_space<hbm>>) target_semaphore(%arg6 : memref<!tpu.dma_semaphore, #tpu.memory_space<semaphore_mem>>)
      %dma_start3A_394 = arith.constant 64 : i32
      %dma_start3A_395 = arith.constant 0 : i32
      %dma_start3A_396 = tpu.memref_slice %arg3[%add3A_202, %dma_start3A_394, %dma_start3A_395] : memref<257x128x1000xf32, #tpu.memory_space<hbm>> -> memref<1x64x1000xf32, #tpu.memory_space<hbm>>
      %dma_start3A_397 = tpu.memref_squeeze %dma_start3A_396 : memref<1x64x1000xf32, #tpu.memory_space<hbm>> -> memref<64x1000xf32, #tpu.memory_space<hbm>>
      %dma_start3A_398 = arith.constant 64 : i32
      %dma_start3A_399 = arith.constant 0 : i32
      %dma_start3A_400 = tpu.memref_slice %arg3[%add3A_202, %dma_start3A_398, %dma_start3A_399] : memref<257x128x1000xf32, #tpu.memory_space<hbm>> -> memref<1x64x1000xf32, #tpu.memory_space<hbm>>
      %dma_start3A_401 = tpu.memref_squeeze %dma_start3A_400 : memref<1x64x1000xf32, #tpu.memory_space<hbm>> -> memref<64x1000xf32, #tpu.memory_space<hbm>>
      tpu.enqueue_dma source(%arg5 : memref<64x1000xf32, #tpu.memory_space<vmem>>) target(%dma_start3A_401 : memref<64x1000xf32, #tpu.memory_space<hbm>>) target_semaphore(%arg6 : memref<!tpu.dma_semaphore, #tpu.memory_space<semaphore_mem>>)
    } else {
    }
    %add3A_211 = arith.constant 32 : i32
    %add3A_212 = arith.addi %arg1, %add3A_211 : i32
    %add3A_213 = arith.addi %mul3A_193, %add3A_212 : i32
    %lt3A_214 = arith.constant 129 : i32
    %lt3A_215 = arith.cmpi slt, %add3A_212, %lt3A_214 : i32
    %lt3A_216 = arith.constant 257 : i32
    %lt3A_217 = arith.cmpi slt, %add3A_213, %lt3A_216 : i32
    %and3A_218 = arith.andi %lt3A_215, %lt3A_217 : i1
    %convert_element_type3A_219 = arith.extui %and3A_218 : i1 to i32
    %cond3A_220 = arith.constant 0 : i32
    %cond3A_221 = arith.cmpi ne, %convert_element_type3A_219, %cond3A_220 : i32
    scf.if %cond3A_221 {
      %dma_start3A = arith.constant 0 : i32
      %dma_start3A_387 = arith.constant 0 : i32
      %dma_start3A_388 = tpu.memref_slice %arg3[%add3A_213, %dma_start3A, %dma_start3A_387] : memref<257x128x1000xf32, #tpu.memory_space<hbm>> -> memref<1x64x1000xf32, #tpu.memory_space<hbm>>
      %dma_start3A_389 = tpu.memref_squeeze %dma_start3A_388 : memref<1x64x1000xf32, #tpu.memory_space<hbm>> -> memref<64x1000xf32, #tpu.memory_space<hbm>>
      %dma_start3A_390 = arith.constant 0 : i32
      %dma_start3A_391 = arith.constant 0 : i32
      %dma_start3A_392 = tpu.memref_slice %arg3[%add3A_213, %dma_start3A_390, %dma_start3A_391] : memref<257x128x1000xf32, #tpu.memory_space<hbm>> -> memref<1x64x1000xf32, #tpu.memory_space<hbm>>
      %dma_start3A_393 = tpu.memref_squeeze %dma_start3A_392 : memref<1x64x1000xf32, #tpu.memory_space<hbm>> -> memref<64x1000xf32, #tpu.memory_space<hbm>>
      tpu.enqueue_dma source(%arg5 : memref<64x1000xf32, #tpu.memory_space<vmem>>) target(%dma_start3A_393 : memref<64x1000xf32, #tpu.memory_space<hbm>>) target_semaphore(%arg6 : memref<!tpu.dma_semaphore, #tpu.memory_space<semaphore_mem>>)
      %dma_start3A_394 = arith.constant 64 : i32
      %dma_start3A_395 = arith.constant 0 : i32
      %dma_start3A_396 = tpu.memref_slice %arg3[%add3A_213, %dma_start3A_394, %dma_start3A_395] : memref<257x128x1000xf32, #tpu.memory_space<hbm>> -> memref<1x64x1000xf32, #tpu.memory_space<hbm>>
      %dma_start3A_397 = tpu.memref_squeeze %dma_start3A_396 : memref<1x64x1000xf32, #tpu.memory_space<hbm>> -> memref<64x1000xf32, #tpu.memory_space<hbm>>
      %dma_start3A_398 = arith.constant 64 : i32
      %dma_start3A_399 = arith.constant 0 : i32
      %dma_start3A_400 = tpu.memref_slice %arg3[%add3A_213, %dma_start3A_398, %dma_start3A_399] : memref<257x128x1000xf32, #tpu.memory_space<hbm>> -> memref<1x64x1000xf32, #tpu.memory_space<hbm>>
      %dma_start3A_401 = tpu.memref_squeeze %dma_start3A_400 : memref<1x64x1000xf32, #tpu.memory_space<hbm>> -> memref<64x1000xf32, #tpu.memory_space<hbm>>
      tpu.enqueue_dma source(%arg5 : memref<64x1000xf32, #tpu.memory_space<vmem>>) target(%dma_start3A_401 : memref<64x1000xf32, #tpu.memory_space<hbm>>) target_semaphore(%arg6 : memref<!tpu.dma_semaphore, #tpu.memory_space<semaphore_mem>>)
    } else {
    }
    %add3A_222 = arith.constant 48 : i32
    %add3A_223 = arith.addi %arg1, %add3A_222 : i32
    %add3A_224 = arith.addi %mul3A_193, %add3A_223 : i32
    %lt3A_225 = arith.constant 129 : i32
    %lt3A_226 = arith.cmpi slt, %add3A_223, %lt3A_225 : i32
    %lt3A_227 = arith.constant 257 : i32
    %lt3A_228 = arith.cmpi slt, %add3A_224, %lt3A_227 : i32
    %and3A_229 = arith.andi %lt3A_226, %lt3A_228 : i1
    %convert_element_type3A_230 = arith.extui %and3A_229 : i1 to i32
    %cond3A_231 = arith.constant 0 : i32
    %cond3A_232 = arith.cmpi ne, %convert_element_type3A_230, %cond3A_231 : i32
    scf.if %cond3A_232 {
      %dma_start3A = arith.constant 0 : i32
      %dma_start3A_387 = arith.constant 0 : i32
      %dma_start3A_388 = tpu.memref_slice %arg3[%add3A_224, %dma_start3A, %dma_start3A_387] : memref<257x128x1000xf32, #tpu.memory_space<hbm>> -> memref<1x64x1000xf32, #tpu.memory_space<hbm>>
      %dma_start3A_389 = tpu.memref_squeeze %dma_start3A_388 : memref<1x64x1000xf32, #tpu.memory_space<hbm>> -> memref<64x1000xf32, #tpu.memory_space<hbm>>
      %dma_start3A_390 = arith.constant 0 : i32
      %dma_start3A_391 = arith.constant 0 : i32
      %dma_start3A_392 = tpu.memref_slice %arg3[%add3A_224, %dma_start3A_390, %dma_start3A_391] : memref<257x128x1000xf32, #tpu.memory_space<hbm>> -> memref<1x64x1000xf32, #tpu.memory_space<hbm>>
      %dma_start3A_393 = tpu.memref_squeeze %dma_start3A_392 : memref<1x64x1000xf32, #tpu.memory_space<hbm>> -> memref<64x1000xf32, #tpu.memory_space<hbm>>
      tpu.enqueue_dma source(%arg5 : memref<64x1000xf32, #tpu.memory_space<vmem>>) target(%dma_start3A_393 : memref<64x1000xf32, #tpu.memory_space<hbm>>) target_semaphore(%arg6 : memref<!tpu.dma_semaphore, #tpu.memory_space<semaphore_mem>>)
      %dma_start3A_394 = arith.constant 64 : i32
      %dma_start3A_395 = arith.constant 0 : i32
      %dma_start3A_396 = tpu.memref_slice %arg3[%add3A_224, %dma_start3A_394, %dma_start3A_395] : memref<257x128x1000xf32, #tpu.memory_space<hbm>> -> memref<1x64x1000xf32, #tpu.memory_space<hbm>>
      %dma_start3A_397 = tpu.memref_squeeze %dma_start3A_396 : memref<1x64x1000xf32, #tpu.memory_space<hbm>> -> memref<64x1000xf32, #tpu.memory_space<hbm>>
      %dma_start3A_398 = arith.constant 64 : i32
      %dma_start3A_399 = arith.constant 0 : i32
      %dma_start3A_400 = tpu.memref_slice %arg3[%add3A_224, %dma_start3A_398, %dma_start3A_399] : memref<257x128x1000xf32, #tpu.memory_space<hbm>> -> memref<1x64x1000xf32, #tpu.memory_space<hbm>>
      %dma_start3A_401 = tpu.memref_squeeze %dma_start3A_400 : memref<1x64x1000xf32, #tpu.memory_space<hbm>> -> memref<64x1000xf32, #tpu.memory_space<hbm>>
      tpu.enqueue_dma source(%arg5 : memref<64x1000xf32, #tpu.memory_space<vmem>>) target(%dma_start3A_401 : memref<64x1000xf32, #tpu.memory_space<hbm>>) target_semaphore(%arg6 : memref<!tpu.dma_semaphore, #tpu.memory_space<semaphore_mem>>)
    } else {
    }
    %add3A_233 = arith.constant 64 : i32
    %add3A_234 = arith.addi %arg1, %add3A_233 : i32
    %add3A_235 = arith.addi %mul3A_193, %add3A_234 : i32
    %lt3A_236 = arith.constant 129 : i32
    %lt3A_237 = arith.cmpi slt, %add3A_234, %lt3A_236 : i32
    %lt3A_238 = arith.constant 257 : i32
    %lt3A_239 = arith.cmpi slt, %add3A_235, %lt3A_238 : i32
    %and3A_240 = arith.andi %lt3A_237, %lt3A_239 : i1
    %convert_element_type3A_241 = arith.extui %and3A_240 : i1 to i32
    %cond3A_242 = arith.constant 0 : i32
    %cond3A_243 = arith.cmpi ne, %convert_element_type3A_241, %cond3A_242 : i32
    scf.if %cond3A_243 {
      %dma_start3A = arith.constant 0 : i32
      %dma_start3A_387 = arith.constant 0 : i32
      %dma_start3A_388 = tpu.memref_slice %arg3[%add3A_235, %dma_start3A, %dma_start3A_387] : memref<257x128x1000xf32, #tpu.memory_space<hbm>> -> memref<1x64x1000xf32, #tpu.memory_space<hbm>>
      %dma_start3A_389 = tpu.memref_squeeze %dma_start3A_388 : memref<1x64x1000xf32, #tpu.memory_space<hbm>> -> memref<64x1000xf32, #tpu.memory_space<hbm>>
      %dma_start3A_390 = arith.constant 0 : i32
      %dma_start3A_391 = arith.constant 0 : i32
      %dma_start3A_392 = tpu.memref_slice %arg3[%add3A_235, %dma_start3A_390, %dma_start3A_391] : memref<257x128x1000xf32, #tpu.memory_space<hbm>> -> memref<1x64x1000xf32, #tpu.memory_space<hbm>>
      %dma_start3A_393 = tpu.memref_squeeze %dma_start3A_392 : memref<1x64x1000xf32, #tpu.memory_space<hbm>> -> memref<64x1000xf32, #tpu.memory_space<hbm>>
      tpu.enqueue_dma source(%arg5 : memref<64x1000xf32, #tpu.memory_space<vmem>>) target(%dma_start3A_393 : memref<64x1000xf32, #tpu.memory_space<hbm>>) target_semaphore(%arg6 : memref<!tpu.dma_semaphore, #tpu.memory_space<semaphore_mem>>)
      %dma_start3A_394 = arith.constant 64 : i32
      %dma_start3A_395 = arith.constant 0 : i32
      %dma_start3A_396 = tpu.memref_slice %arg3[%add3A_235, %dma_start3A_394, %dma_start3A_395] : memref<257x128x1000xf32, #tpu.memory_space<hbm>> -> memref<1x64x1000xf32, #tpu.memory_space<hbm>>
      %dma_start3A_397 = tpu.memref_squeeze %dma_start3A_396 : memref<1x64x1000xf32, #tpu.memory_space<hbm>> -> memref<64x1000xf32, #tpu.memory_space<hbm>>
      %dma_start3A_398 = arith.constant 64 : i32
      %dma_start3A_399 = arith.constant 0 : i32
      %dma_start3A_400 = tpu.memref_slice %arg3[%add3A_235, %dma_start3A_398, %dma_start3A_399] : memref<257x128x1000xf32, #tpu.memory_space<hbm>> -> memref<1x64x1000xf32, #tpu.memory_space<hbm>>
      %dma_start3A_401 = tpu.memref_squeeze %dma_start3A_400 : memref<1x64x1000xf32, #tpu.memory_space<hbm>> -> memref<64x1000xf32, #tpu.memory_space<hbm>>
      tpu.enqueue_dma source(%arg5 : memref<64x1000xf32, #tpu.memory_space<vmem>>) target(%dma_start3A_401 : memref<64x1000xf32, #tpu.memory_space<hbm>>) target_semaphore(%arg6 : memref<!tpu.dma_semaphore, #tpu.memory_space<semaphore_mem>>)
    } else {
    }
    %add3A_244 = arith.constant 80 : i32
    %add3A_245 = arith.addi %arg1, %add3A_244 : i32
    %add3A_246 = arith.addi %mul3A_193, %add3A_245 : i32
    %lt3A_247 = arith.constant 129 : i32
    %lt3A_248 = arith.cmpi slt, %add3A_245, %lt3A_247 : i32
    %lt3A_249 = arith.constant 257 : i32
    %lt3A_250 = arith.cmpi slt, %add3A_246, %lt3A_249 : i32
    %and3A_251 = arith.andi %lt3A_248, %lt3A_250 : i1
    %convert_element_type3A_252 = arith.extui %and3A_251 : i1 to i32
    %cond3A_253 = arith.constant 0 : i32
    %cond3A_254 = arith.cmpi ne, %convert_element_type3A_252, %cond3A_253 : i32
    scf.if %cond3A_254 {
      %dma_start3A = arith.constant 0 : i32
      %dma_start3A_387 = arith.constant 0 : i32
      %dma_start3A_388 = tpu.memref_slice %arg3[%add3A_246, %dma_start3A, %dma_start3A_387] : memref<257x128x1000xf32, #tpu.memory_space<hbm>> -> memref<1x64x1000xf32, #tpu.memory_space<hbm>>
      %dma_start3A_389 = tpu.memref_squeeze %dma_start3A_388 : memref<1x64x1000xf32, #tpu.memory_space<hbm>> -> memref<64x1000xf32, #tpu.memory_space<hbm>>
      %dma_start3A_390 = arith.constant 0 : i32
      %dma_start3A_391 = arith.constant 0 : i32
      %dma_start3A_392 = tpu.memref_slice %arg3[%add3A_246, %dma_start3A_390, %dma_start3A_391] : memref<257x128x1000xf32, #tpu.memory_space<hbm>> -> memref<1x64x1000xf32, #tpu.memory_space<hbm>>
      %dma_start3A_393 = tpu.memref_squeeze %dma_start3A_392 : memref<1x64x1000xf32, #tpu.memory_space<hbm>> -> memref<64x1000xf32, #tpu.memory_space<hbm>>
      tpu.enqueue_dma source(%arg5 : memref<64x1000xf32, #tpu.memory_space<vmem>>) target(%dma_start3A_393 : memref<64x1000xf32, #tpu.memory_space<hbm>>) target_semaphore(%arg6 : memref<!tpu.dma_semaphore, #tpu.memory_space<semaphore_mem>>)
      %dma_start3A_394 = arith.constant 64 : i32
      %dma_start3A_395 = arith.constant 0 : i32
      %dma_start3A_396 = tpu.memref_slice %arg3[%add3A_246, %dma_start3A_394, %dma_start3A_395] : memref<257x128x1000xf32, #tpu.memory_space<hbm>> -> memref<1x64x1000xf32, #tpu.memory_space<hbm>>
      %dma_start3A_397 = tpu.memref_squeeze %dma_start3A_396 : memref<1x64x1000xf32, #tpu.memory_space<hbm>> -> memref<64x1000xf32, #tpu.memory_space<hbm>>
      %dma_start3A_398 = arith.constant 64 : i32
      %dma_start3A_399 = arith.constant 0 : i32
      %dma_start3A_400 = tpu.memref_slice %arg3[%add3A_246, %dma_start3A_398, %dma_start3A_399] : memref<257x128x1000xf32, #tpu.memory_space<hbm>> -> memref<1x64x1000xf32, #tpu.memory_space<hbm>>
      %dma_start3A_401 = tpu.memref_squeeze %dma_start3A_400 : memref<1x64x1000xf32, #tpu.memory_space<hbm>> -> memref<64x1000xf32, #tpu.memory_space<hbm>>
      tpu.enqueue_dma source(%arg5 : memref<64x1000xf32, #tpu.memory_space<vmem>>) target(%dma_start3A_401 : memref<64x1000xf32, #tpu.memory_space<hbm>>) target_semaphore(%arg6 : memref<!tpu.dma_semaphore, #tpu.memory_space<semaphore_mem>>)
    } else {
    }
    %add3A_255 = arith.constant 96 : i32
    %add3A_256 = arith.addi %arg1, %add3A_255 : i32
    %add3A_257 = arith.addi %mul3A_193, %add3A_256 : i32
    %lt3A_258 = arith.constant 129 : i32
    %lt3A_259 = arith.cmpi slt, %add3A_256, %lt3A_258 : i32
    %lt3A_260 = arith.constant 257 : i32
    %lt3A_261 = arith.cmpi slt, %add3A_257, %lt3A_260 : i32
    %and3A_262 = arith.andi %lt3A_259, %lt3A_261 : i1
    %convert_element_type3A_263 = arith.extui %and3A_262 : i1 to i32
    %cond3A_264 = arith.constant 0 : i32
    %cond3A_265 = arith.cmpi ne, %convert_element_type3A_263, %cond3A_264 : i32
    scf.if %cond3A_265 {
      %dma_start3A = arith.constant 0 : i32
      %dma_start3A_387 = arith.constant 0 : i32
      %dma_start3A_388 = tpu.memref_slice %arg3[%add3A_257, %dma_start3A, %dma_start3A_387] : memref<257x128x1000xf32, #tpu.memory_space<hbm>> -> memref<1x64x1000xf32, #tpu.memory_space<hbm>>
      %dma_start3A_389 = tpu.memref_squeeze %dma_start3A_388 : memref<1x64x1000xf32, #tpu.memory_space<hbm>> -> memref<64x1000xf32, #tpu.memory_space<hbm>>
      %dma_start3A_390 = arith.constant 0 : i32
      %dma_start3A_391 = arith.constant 0 : i32
      %dma_start3A_392 = tpu.memref_slice %arg3[%add3A_257, %dma_start3A_390, %dma_start3A_391] : memref<257x128x1000xf32, #tpu.memory_space<hbm>> -> memref<1x64x1000xf32, #tpu.memory_space<hbm>>
      %dma_start3A_393 = tpu.memref_squeeze %dma_start3A_392 : memref<1x64x1000xf32, #tpu.memory_space<hbm>> -> memref<64x1000xf32, #tpu.memory_space<hbm>>
      tpu.enqueue_dma source(%arg5 : memref<64x1000xf32, #tpu.memory_space<vmem>>) target(%dma_start3A_393 : memref<64x1000xf32, #tpu.memory_space<hbm>>) target_semaphore(%arg6 : memref<!tpu.dma_semaphore, #tpu.memory_space<semaphore_mem>>)
      %dma_start3A_394 = arith.constant 64 : i32
      %dma_start3A_395 = arith.constant 0 : i32
      %dma_start3A_396 = tpu.memref_slice %arg3[%add3A_257, %dma_start3A_394, %dma_start3A_395] : memref<257x128x1000xf32, #tpu.memory_space<hbm>> -> memref<1x64x1000xf32, #tpu.memory_space<hbm>>
      %dma_start3A_397 = tpu.memref_squeeze %dma_start3A_396 : memref<1x64x1000xf32, #tpu.memory_space<hbm>> -> memref<64x1000xf32, #tpu.memory_space<hbm>>
      %dma_start3A_398 = arith.constant 64 : i32
      %dma_start3A_399 = arith.constant 0 : i32
      %dma_start3A_400 = tpu.memref_slice %arg3[%add3A_257, %dma_start3A_398, %dma_start3A_399] : memref<257x128x1000xf32, #tpu.memory_space<hbm>> -> memref<1x64x1000xf32, #tpu.memory_space<hbm>>
      %dma_start3A_401 = tpu.memref_squeeze %dma_start3A_400 : memref<1x64x1000xf32, #tpu.memory_space<hbm>> -> memref<64x1000xf32, #tpu.memory_space<hbm>>
      tpu.enqueue_dma source(%arg5 : memref<64x1000xf32, #tpu.memory_space<vmem>>) target(%dma_start3A_401 : memref<64x1000xf32, #tpu.memory_space<hbm>>) target_semaphore(%arg6 : memref<!tpu.dma_semaphore, #tpu.memory_space<semaphore_mem>>)
    } else {
    }
    %add3A_266 = arith.constant 112 : i32
    %add3A_267 = arith.addi %arg1, %add3A_266 : i32
    %add3A_268 = arith.addi %mul3A_193, %add3A_267 : i32
    %lt3A_269 = arith.constant 129 : i32
    %lt3A_270 = arith.cmpi slt, %add3A_267, %lt3A_269 : i32
    %lt3A_271 = arith.constant 257 : i32
    %lt3A_272 = arith.cmpi slt, %add3A_268, %lt3A_271 : i32
    %and3A_273 = arith.andi %lt3A_270, %lt3A_272 : i1
    %convert_element_type3A_274 = arith.extui %and3A_273 : i1 to i32
    %cond3A_275 = arith.constant 0 : i32
    %cond3A_276 = arith.cmpi ne, %convert_element_type3A_274, %cond3A_275 : i32
    scf.if %cond3A_276 {
      %dma_start3A = arith.constant 0 : i32
      %dma_start3A_387 = arith.constant 0 : i32
      %dma_start3A_388 = tpu.memref_slice %arg3[%add3A_268, %dma_start3A, %dma_start3A_387] : memref<257x128x1000xf32, #tpu.memory_space<hbm>> -> memref<1x64x1000xf32, #tpu.memory_space<hbm>>
      %dma_start3A_389 = tpu.memref_squeeze %dma_start3A_388 : memref<1x64x1000xf32, #tpu.memory_space<hbm>> -> memref<64x1000xf32, #tpu.memory_space<hbm>>
      %dma_start3A_390 = arith.constant 0 : i32
      %dma_start3A_391 = arith.constant 0 : i32
      %dma_start3A_392 = tpu.memref_slice %arg3[%add3A_268, %dma_start3A_390, %dma_start3A_391] : memref<257x128x1000xf32, #tpu.memory_space<hbm>> -> memref<1x64x1000xf32, #tpu.memory_space<hbm>>
      %dma_start3A_393 = tpu.memref_squeeze %dma_start3A_392 : memref<1x64x1000xf32, #tpu.memory_space<hbm>> -> memref<64x1000xf32, #tpu.memory_space<hbm>>
      tpu.enqueue_dma source(%arg5 : memref<64x1000xf32, #tpu.memory_space<vmem>>) target(%dma_start3A_393 : memref<64x1000xf32, #tpu.memory_space<hbm>>) target_semaphore(%arg6 : memref<!tpu.dma_semaphore, #tpu.memory_space<semaphore_mem>>)
      %dma_start3A_394 = arith.constant 64 : i32
      %dma_start3A_395 = arith.constant 0 : i32
      %dma_start3A_396 = tpu.memref_slice %arg3[%add3A_268, %dma_start3A_394, %dma_start3A_395] : memref<257x128x1000xf32, #tpu.memory_space<hbm>> -> memref<1x64x1000xf32, #tpu.memory_space<hbm>>
      %dma_start3A_397 = tpu.memref_squeeze %dma_start3A_396 : memref<1x64x1000xf32, #tpu.memory_space<hbm>> -> memref<64x1000xf32, #tpu.memory_space<hbm>>
      %dma_start3A_398 = arith.constant 64 : i32
      %dma_start3A_399 = arith.constant 0 : i32
      %dma_start3A_400 = tpu.memref_slice %arg3[%add3A_268, %dma_start3A_398, %dma_start3A_399] : memref<257x128x1000xf32, #tpu.memory_space<hbm>> -> memref<1x64x1000xf32, #tpu.memory_space<hbm>>
      %dma_start3A_401 = tpu.memref_squeeze %dma_start3A_400 : memref<1x64x1000xf32, #tpu.memory_space<hbm>> -> memref<64x1000xf32, #tpu.memory_space<hbm>>
      tpu.enqueue_dma source(%arg5 : memref<64x1000xf32, #tpu.memory_space<vmem>>) target(%dma_start3A_401 : memref<64x1000xf32, #tpu.memory_space<hbm>>) target_semaphore(%arg6 : memref<!tpu.dma_semaphore, #tpu.memory_space<semaphore_mem>>)
    } else {
    }
    %add3A_277 = arith.constant 128 : i32
    %add3A_278 = arith.addi %arg1, %add3A_277 : i32
    %add3A_279 = arith.addi %mul3A_193, %add3A_278 : i32
    %lt3A_280 = arith.constant 129 : i32
    %lt3A_281 = arith.cmpi slt, %add3A_278, %lt3A_280 : i32
    %lt3A_282 = arith.constant 257 : i32
    %lt3A_283 = arith.cmpi slt, %add3A_279, %lt3A_282 : i32
    %and3A_284 = arith.andi %lt3A_281, %lt3A_283 : i1
    %convert_element_type3A_285 = arith.extui %and3A_284 : i1 to i32
    %cond3A_286 = arith.constant 0 : i32
    %cond3A_287 = arith.cmpi ne, %convert_element_type3A_285, %cond3A_286 : i32
    scf.if %cond3A_287 {
      %dma_start3A = arith.constant 0 : i32
      %dma_start3A_387 = arith.constant 0 : i32
      %dma_start3A_388 = tpu.memref_slice %arg3[%add3A_279, %dma_start3A, %dma_start3A_387] : memref<257x128x1000xf32, #tpu.memory_space<hbm>> -> memref<1x64x1000xf32, #tpu.memory_space<hbm>>
      %dma_start3A_389 = tpu.memref_squeeze %dma_start3A_388 : memref<1x64x1000xf32, #tpu.memory_space<hbm>> -> memref<64x1000xf32, #tpu.memory_space<hbm>>
      %dma_start3A_390 = arith.constant 0 : i32
      %dma_start3A_391 = arith.constant 0 : i32
      %dma_start3A_392 = tpu.memref_slice %arg3[%add3A_279, %dma_start3A_390, %dma_start3A_391] : memref<257x128x1000xf32, #tpu.memory_space<hbm>> -> memref<1x64x1000xf32, #tpu.memory_space<hbm>>
      %dma_start3A_393 = tpu.memref_squeeze %dma_start3A_392 : memref<1x64x1000xf32, #tpu.memory_space<hbm>> -> memref<64x1000xf32, #tpu.memory_space<hbm>>
      tpu.enqueue_dma source(%arg5 : memref<64x1000xf32, #tpu.memory_space<vmem>>) target(%dma_start3A_393 : memref<64x1000xf32, #tpu.memory_space<hbm>>) target_semaphore(%arg6 : memref<!tpu.dma_semaphore, #tpu.memory_space<semaphore_mem>>)
      %dma_start3A_394 = arith.constant 64 : i32
      %dma_start3A_395 = arith.constant 0 : i32
      %dma_start3A_396 = tpu.memref_slice %arg3[%add3A_279, %dma_start3A_394, %dma_start3A_395] : memref<257x128x1000xf32, #tpu.memory_space<hbm>> -> memref<1x64x1000xf32, #tpu.memory_space<hbm>>
      %dma_start3A_397 = tpu.memref_squeeze %dma_start3A_396 : memref<1x64x1000xf32, #tpu.memory_space<hbm>> -> memref<64x1000xf32, #tpu.memory_space<hbm>>
      %dma_start3A_398 = arith.constant 64 : i32
      %dma_start3A_399 = arith.constant 0 : i32
      %dma_start3A_400 = tpu.memref_slice %arg3[%add3A_279, %dma_start3A_398, %dma_start3A_399] : memref<257x128x1000xf32, #tpu.memory_space<hbm>> -> memref<1x64x1000xf32, #tpu.memory_space<hbm>>
      %dma_start3A_401 = tpu.memref_squeeze %dma_start3A_400 : memref<1x64x1000xf32, #tpu.memory_space<hbm>> -> memref<64x1000xf32, #tpu.memory_space<hbm>>
      tpu.enqueue_dma source(%arg5 : memref<64x1000xf32, #tpu.memory_space<vmem>>) target(%dma_start3A_401 : memref<64x1000xf32, #tpu.memory_space<hbm>>) target_semaphore(%arg6 : memref<!tpu.dma_semaphore, #tpu.memory_space<semaphore_mem>>)
    } else {
    }
    %add3A_288 = arith.constant 0 : i32
    %add3A_289 = arith.addi %arg1, %add3A_288 : i32
    %add3A_290 = arith.addi %mul3A_193, %add3A_289 : i32
    %lt3A_291 = arith.constant 129 : i32
    %lt3A_292 = arith.cmpi slt, %add3A_289, %lt3A_291 : i32
    %lt3A_293 = arith.constant 257 : i32
    %lt3A_294 = arith.cmpi slt, %add3A_290, %lt3A_293 : i32
    %and3A_295 = arith.andi %lt3A_292, %lt3A_294 : i1
    %convert_element_type3A_296 = arith.extui %and3A_295 : i1 to i32
    %cond3A_297 = arith.constant 0 : i32
    %cond3A_298 = arith.cmpi ne, %convert_element_type3A_296, %cond3A_297 : i32
    scf.if %cond3A_298 {
      %dma_wait3A = arith.constant 0 : i32
      %dma_wait3A_387 = arith.constant 0 : i32
      %dma_wait3A_388 = tpu.memref_slice %arg3[%add3A_290, %dma_wait3A, %dma_wait3A_387] : memref<257x128x1000xf32, #tpu.memory_space<hbm>> -> memref<1x64x1000xf32, #tpu.memory_space<hbm>>
      %dma_wait3A_389 = tpu.memref_squeeze %dma_wait3A_388 : memref<1x64x1000xf32, #tpu.memory_space<hbm>> -> memref<64x1000xf32, #tpu.memory_space<hbm>>
      %dma_wait3A_390 = arith.constant 0 : i32
      %dma_wait3A_391 = arith.constant 0 : i32
      %dma_wait3A_392 = tpu.memref_slice %arg3[%add3A_290, %dma_wait3A_390, %dma_wait3A_391] : memref<257x128x1000xf32, #tpu.memory_space<hbm>> -> memref<1x64x1000xf32, #tpu.memory_space<hbm>>
      %dma_wait3A_393 = tpu.memref_squeeze %dma_wait3A_392 : memref<1x64x1000xf32, #tpu.memory_space<hbm>> -> memref<64x1000xf32, #tpu.memory_space<hbm>>
      tpu.wait_dma2 semaphore(%arg6 : memref<!tpu.dma_semaphore, #tpu.memory_space<semaphore_mem>>) src(%arg5 : memref<64x1000xf32, #tpu.memory_space<vmem>>) dst(%dma_wait3A_393 : memref<64x1000xf32, #tpu.memory_space<hbm>>)
      %dma_wait3A_394 = arith.constant 64 : i32
      %dma_wait3A_395 = arith.constant 0 : i32
      %dma_wait3A_396 = tpu.memref_slice %arg3[%add3A_290, %dma_wait3A_394, %dma_wait3A_395] : memref<257x128x1000xf32, #tpu.memory_space<hbm>> -> memref<1x64x1000xf32, #tpu.memory_space<hbm>>
      %dma_wait3A_397 = tpu.memref_squeeze %dma_wait3A_396 : memref<1x64x1000xf32, #tpu.memory_space<hbm>> -> memref<64x1000xf32, #tpu.memory_space<hbm>>
      %dma_wait3A_398 = arith.constant 64 : i32
      %dma_wait3A_399 = arith.constant 0 : i32
      %dma_wait3A_400 = tpu.memref_slice %arg3[%add3A_290, %dma_wait3A_398, %dma_wait3A_399] : memref<257x128x1000xf32, #tpu.memory_space<hbm>> -> memref<1x64x1000xf32, #tpu.memory_space<hbm>>
      %dma_wait3A_401 = tpu.memref_squeeze %dma_wait3A_400 : memref<1x64x1000xf32, #tpu.memory_space<hbm>> -> memref<64x1000xf32, #tpu.memory_space<hbm>>
      tpu.wait_dma2 semaphore(%arg6 : memref<!tpu.dma_semaphore, #tpu.memory_space<semaphore_mem>>) src(%arg5 : memref<64x1000xf32, #tpu.memory_space<vmem>>) dst(%dma_wait3A_401 : memref<64x1000xf32, #tpu.memory_space<hbm>>)
    } else {
    }
    %add3A_299 = arith.constant 16 : i32
    %add3A_300 = arith.addi %arg1, %add3A_299 : i32
    %add3A_301 = arith.addi %mul3A_193, %add3A_300 : i32
    %lt3A_302 = arith.constant 129 : i32
    %lt3A_303 = arith.cmpi slt, %add3A_300, %lt3A_302 : i32
    %lt3A_304 = arith.constant 257 : i32
    %lt3A_305 = arith.cmpi slt, %add3A_301, %lt3A_304 : i32
    %and3A_306 = arith.andi %lt3A_303, %lt3A_305 : i1
    %convert_element_type3A_307 = arith.extui %and3A_306 : i1 to i32
    %cond3A_308 = arith.constant 0 : i32
    %cond3A_309 = arith.cmpi ne, %convert_element_type3A_307, %cond3A_308 : i32
    scf.if %cond3A_309 {
      %dma_wait3A = arith.constant 0 : i32
      %dma_wait3A_387 = arith.constant 0 : i32
      %dma_wait3A_388 = tpu.memref_slice %arg3[%add3A_301, %dma_wait3A, %dma_wait3A_387] : memref<257x128x1000xf32, #tpu.memory_space<hbm>> -> memref<1x64x1000xf32, #tpu.memory_space<hbm>>
      %dma_wait3A_389 = tpu.memref_squeeze %dma_wait3A_388 : memref<1x64x1000xf32, #tpu.memory_space<hbm>> -> memref<64x1000xf32, #tpu.memory_space<hbm>>
      %dma_wait3A_390 = arith.constant 0 : i32
      %dma_wait3A_391 = arith.constant 0 : i32
      %dma_wait3A_392 = tpu.memref_slice %arg3[%add3A_301, %dma_wait3A_390, %dma_wait3A_391] : memref<257x128x1000xf32, #tpu.memory_space<hbm>> -> memref<1x64x1000xf32, #tpu.memory_space<hbm>>
      %dma_wait3A_393 = tpu.memref_squeeze %dma_wait3A_392 : memref<1x64x1000xf32, #tpu.memory_space<hbm>> -> memref<64x1000xf32, #tpu.memory_space<hbm>>
      tpu.wait_dma2 semaphore(%arg6 : memref<!tpu.dma_semaphore, #tpu.memory_space<semaphore_mem>>) src(%arg5 : memref<64x1000xf32, #tpu.memory_space<vmem>>) dst(%dma_wait3A_393 : memref<64x1000xf32, #tpu.memory_space<hbm>>)
      %dma_wait3A_394 = arith.constant 64 : i32
      %dma_wait3A_395 = arith.constant 0 : i32
      %dma_wait3A_396 = tpu.memref_slice %arg3[%add3A_301, %dma_wait3A_394, %dma_wait3A_395] : memref<257x128x1000xf32, #tpu.memory_space<hbm>> -> memref<1x64x1000xf32, #tpu.memory_space<hbm>>
      %dma_wait3A_397 = tpu.memref_squeeze %dma_wait3A_396 : memref<1x64x1000xf32, #tpu.memory_space<hbm>> -> memref<64x1000xf32, #tpu.memory_space<hbm>>
      %dma_wait3A_398 = arith.constant 64 : i32
      %dma_wait3A_399 = arith.constant 0 : i32
      %dma_wait3A_400 = tpu.memref_slice %arg3[%add3A_301, %dma_wait3A_398, %dma_wait3A_399] : memref<257x128x1000xf32, #tpu.memory_space<hbm>> -> memref<1x64x1000xf32, #tpu.memory_space<hbm>>
      %dma_wait3A_401 = tpu.memref_squeeze %dma_wait3A_400 : memref<1x64x1000xf32, #tpu.memory_space<hbm>> -> memref<64x1000xf32, #tpu.memory_space<hbm>>
      tpu.wait_dma2 semaphore(%arg6 : memref<!tpu.dma_semaphore, #tpu.memory_space<semaphore_mem>>) src(%arg5 : memref<64x1000xf32, #tpu.memory_space<vmem>>) dst(%dma_wait3A_401 : memref<64x1000xf32, #tpu.memory_space<hbm>>)
    } else {
    }
    %add3A_310 = arith.constant 32 : i32
    %add3A_311 = arith.addi %arg1, %add3A_310 : i32
    %add3A_312 = arith.addi %mul3A_193, %add3A_311 : i32
    %lt3A_313 = arith.constant 129 : i32
    %lt3A_314 = arith.cmpi slt, %add3A_311, %lt3A_313 : i32
    %lt3A_315 = arith.constant 257 : i32
    %lt3A_316 = arith.cmpi slt, %add3A_312, %lt3A_315 : i32
    %and3A_317 = arith.andi %lt3A_314, %lt3A_316 : i1
    %convert_element_type3A_318 = arith.extui %and3A_317 : i1 to i32
    %cond3A_319 = arith.constant 0 : i32
    %cond3A_320 = arith.cmpi ne, %convert_element_type3A_318, %cond3A_319 : i32
    scf.if %cond3A_320 {
      %dma_wait3A = arith.constant 0 : i32
      %dma_wait3A_387 = arith.constant 0 : i32
      %dma_wait3A_388 = tpu.memref_slice %arg3[%add3A_312, %dma_wait3A, %dma_wait3A_387] : memref<257x128x1000xf32, #tpu.memory_space<hbm>> -> memref<1x64x1000xf32, #tpu.memory_space<hbm>>
      %dma_wait3A_389 = tpu.memref_squeeze %dma_wait3A_388 : memref<1x64x1000xf32, #tpu.memory_space<hbm>> -> memref<64x1000xf32, #tpu.memory_space<hbm>>
      %dma_wait3A_390 = arith.constant 0 : i32
      %dma_wait3A_391 = arith.constant 0 : i32
      %dma_wait3A_392 = tpu.memref_slice %arg3[%add3A_312, %dma_wait3A_390, %dma_wait3A_391] : memref<257x128x1000xf32, #tpu.memory_space<hbm>> -> memref<1x64x1000xf32, #tpu.memory_space<hbm>>
      %dma_wait3A_393 = tpu.memref_squeeze %dma_wait3A_392 : memref<1x64x1000xf32, #tpu.memory_space<hbm>> -> memref<64x1000xf32, #tpu.memory_space<hbm>>
      tpu.wait_dma2 semaphore(%arg6 : memref<!tpu.dma_semaphore, #tpu.memory_space<semaphore_mem>>) src(%arg5 : memref<64x1000xf32, #tpu.memory_space<vmem>>) dst(%dma_wait3A_393 : memref<64x1000xf32, #tpu.memory_space<hbm>>)
      %dma_wait3A_394 = arith.constant 64 : i32
      %dma_wait3A_395 = arith.constant 0 : i32
      %dma_wait3A_396 = tpu.memref_slice %arg3[%add3A_312, %dma_wait3A_394, %dma_wait3A_395] : memref<257x128x1000xf32, #tpu.memory_space<hbm>> -> memref<1x64x1000xf32, #tpu.memory_space<hbm>>
      %dma_wait3A_397 = tpu.memref_squeeze %dma_wait3A_396 : memref<1x64x1000xf32, #tpu.memory_space<hbm>> -> memref<64x1000xf32, #tpu.memory_space<hbm>>
      %dma_wait3A_398 = arith.constant 64 : i32
      %dma_wait3A_399 = arith.constant 0 : i32
      %dma_wait3A_400 = tpu.memref_slice %arg3[%add3A_312, %dma_wait3A_398, %dma_wait3A_399] : memref<257x128x1000xf32, #tpu.memory_space<hbm>> -> memref<1x64x1000xf32, #tpu.memory_space<hbm>>
      %dma_wait3A_401 = tpu.memref_squeeze %dma_wait3A_400 : memref<1x64x1000xf32, #tpu.memory_space<hbm>> -> memref<64x1000xf32, #tpu.memory_space<hbm>>
      tpu.wait_dma2 semaphore(%arg6 : memref<!tpu.dma_semaphore, #tpu.memory_space<semaphore_mem>>) src(%arg5 : memref<64x1000xf32, #tpu.memory_space<vmem>>) dst(%dma_wait3A_401 : memref<64x1000xf32, #tpu.memory_space<hbm>>)
    } else {
    }
    %add3A_321 = arith.constant 48 : i32
    %add3A_322 = arith.addi %arg1, %add3A_321 : i32
    %add3A_323 = arith.addi %mul3A_193, %add3A_322 : i32
    %lt3A_324 = arith.constant 129 : i32
    %lt3A_325 = arith.cmpi slt, %add3A_322, %lt3A_324 : i32
    %lt3A_326 = arith.constant 257 : i32
    %lt3A_327 = arith.cmpi slt, %add3A_323, %lt3A_326 : i32
    %and3A_328 = arith.andi %lt3A_325, %lt3A_327 : i1
    %convert_element_type3A_329 = arith.extui %and3A_328 : i1 to i32
    %cond3A_330 = arith.constant 0 : i32
    %cond3A_331 = arith.cmpi ne, %convert_element_type3A_329, %cond3A_330 : i32
    scf.if %cond3A_331 {
      %dma_wait3A = arith.constant 0 : i32
      %dma_wait3A_387 = arith.constant 0 : i32
      %dma_wait3A_388 = tpu.memref_slice %arg3[%add3A_323, %dma_wait3A, %dma_wait3A_387] : memref<257x128x1000xf32, #tpu.memory_space<hbm>> -> memref<1x64x1000xf32, #tpu.memory_space<hbm>>
      %dma_wait3A_389 = tpu.memref_squeeze %dma_wait3A_388 : memref<1x64x1000xf32, #tpu.memory_space<hbm>> -> memref<64x1000xf32, #tpu.memory_space<hbm>>
      %dma_wait3A_390 = arith.constant 0 : i32
      %dma_wait3A_391 = arith.constant 0 : i32
      %dma_wait3A_392 = tpu.memref_slice %arg3[%add3A_323, %dma_wait3A_390, %dma_wait3A_391] : memref<257x128x1000xf32, #tpu.memory_space<hbm>> -> memref<1x64x1000xf32, #tpu.memory_space<hbm>>
      %dma_wait3A_393 = tpu.memref_squeeze %dma_wait3A_392 : memref<1x64x1000xf32, #tpu.memory_space<hbm>> -> memref<64x1000xf32, #tpu.memory_space<hbm>>
      tpu.wait_dma2 semaphore(%arg6 : memref<!tpu.dma_semaphore, #tpu.memory_space<semaphore_mem>>) src(%arg5 : memref<64x1000xf32, #tpu.memory_space<vmem>>) dst(%dma_wait3A_393 : memref<64x1000xf32, #tpu.memory_space<hbm>>)
      %dma_wait3A_394 = arith.constant 64 : i32
      %dma_wait3A_395 = arith.constant 0 : i32
      %dma_wait3A_396 = tpu.memref_slice %arg3[%add3A_323, %dma_wait3A_394, %dma_wait3A_395] : memref<257x128x1000xf32, #tpu.memory_space<hbm>> -> memref<1x64x1000xf32, #tpu.memory_space<hbm>>
      %dma_wait3A_397 = tpu.memref_squeeze %dma_wait3A_396 : memref<1x64x1000xf32, #tpu.memory_space<hbm>> -> memref<64x1000xf32, #tpu.memory_space<hbm>>
      %dma_wait3A_398 = arith.constant 64 : i32
      %dma_wait3A_399 = arith.constant 0 : i32
      %dma_wait3A_400 = tpu.memref_slice %arg3[%add3A_323, %dma_wait3A_398, %dma_wait3A_399] : memref<257x128x1000xf32, #tpu.memory_space<hbm>> -> memref<1x64x1000xf32, #tpu.memory_space<hbm>>
      %dma_wait3A_401 = tpu.memref_squeeze %dma_wait3A_400 : memref<1x64x1000xf32, #tpu.memory_space<hbm>> -> memref<64x1000xf32, #tpu.memory_space<hbm>>
      tpu.wait_dma2 semaphore(%arg6 : memref<!tpu.dma_semaphore, #tpu.memory_space<semaphore_mem>>) src(%arg5 : memref<64x1000xf32, #tpu.memory_space<vmem>>) dst(%dma_wait3A_401 : memref<64x1000xf32, #tpu.memory_space<hbm>>)
    } else {
    }
    %add3A_332 = arith.constant 64 : i32
    %add3A_333 = arith.addi %arg1, %add3A_332 : i32
    %add3A_334 = arith.addi %mul3A_193, %add3A_333 : i32
    %lt3A_335 = arith.constant 129 : i32
    %lt3A_336 = arith.cmpi slt, %add3A_333, %lt3A_335 : i32
    %lt3A_337 = arith.constant 257 : i32
    %lt3A_338 = arith.cmpi slt, %add3A_334, %lt3A_337 : i32
    %and3A_339 = arith.andi %lt3A_336, %lt3A_338 : i1
    %convert_element_type3A_340 = arith.extui %and3A_339 : i1 to i32
    %cond3A_341 = arith.constant 0 : i32
    %cond3A_342 = arith.cmpi ne, %convert_element_type3A_340, %cond3A_341 : i32
    scf.if %cond3A_342 {
      %dma_wait3A = arith.constant 0 : i32
      %dma_wait3A_387 = arith.constant 0 : i32
      %dma_wait3A_388 = tpu.memref_slice %arg3[%add3A_334, %dma_wait3A, %dma_wait3A_387] : memref<257x128x1000xf32, #tpu.memory_space<hbm>> -> memref<1x64x1000xf32, #tpu.memory_space<hbm>>
      %dma_wait3A_389 = tpu.memref_squeeze %dma_wait3A_388 : memref<1x64x1000xf32, #tpu.memory_space<hbm>> -> memref<64x1000xf32, #tpu.memory_space<hbm>>
      %dma_wait3A_390 = arith.constant 0 : i32
      %dma_wait3A_391 = arith.constant 0 : i32
      %dma_wait3A_392 = tpu.memref_slice %arg3[%add3A_334, %dma_wait3A_390, %dma_wait3A_391] : memref<257x128x1000xf32, #tpu.memory_space<hbm>> -> memref<1x64x1000xf32, #tpu.memory_space<hbm>>
      %dma_wait3A_393 = tpu.memref_squeeze %dma_wait3A_392 : memref<1x64x1000xf32, #tpu.memory_space<hbm>> -> memref<64x1000xf32, #tpu.memory_space<hbm>>
      tpu.wait_dma2 semaphore(%arg6 : memref<!tpu.dma_semaphore, #tpu.memory_space<semaphore_mem>>) src(%arg5 : memref<64x1000xf32, #tpu.memory_space<vmem>>) dst(%dma_wait3A_393 : memref<64x1000xf32, #tpu.memory_space<hbm>>)
      %dma_wait3A_394 = arith.constant 64 : i32
      %dma_wait3A_395 = arith.constant 0 : i32
      %dma_wait3A_396 = tpu.memref_slice %arg3[%add3A_334, %dma_wait3A_394, %dma_wait3A_395] : memref<257x128x1000xf32, #tpu.memory_space<hbm>> -> memref<1x64x1000xf32, #tpu.memory_space<hbm>>
      %dma_wait3A_397 = tpu.memref_squeeze %dma_wait3A_396 : memref<1x64x1000xf32, #tpu.memory_space<hbm>> -> memref<64x1000xf32, #tpu.memory_space<hbm>>
      %dma_wait3A_398 = arith.constant 64 : i32
      %dma_wait3A_399 = arith.constant 0 : i32
      %dma_wait3A_400 = tpu.memref_slice %arg3[%add3A_334, %dma_wait3A_398, %dma_wait3A_399] : memref<257x128x1000xf32, #tpu.memory_space<hbm>> -> memref<1x64x1000xf32, #tpu.memory_space<hbm>>
      %dma_wait3A_401 = tpu.memref_squeeze %dma_wait3A_400 : memref<1x64x1000xf32, #tpu.memory_space<hbm>> -> memref<64x1000xf32, #tpu.memory_space<hbm>>
      tpu.wait_dma2 semaphore(%arg6 : memref<!tpu.dma_semaphore, #tpu.memory_space<semaphore_mem>>) src(%arg5 : memref<64x1000xf32, #tpu.memory_space<vmem>>) dst(%dma_wait3A_401 : memref<64x1000xf32, #tpu.memory_space<hbm>>)
    } else {
    }
    %add3A_343 = arith.constant 80 : i32
    %add3A_344 = arith.addi %arg1, %add3A_343 : i32
    %add3A_345 = arith.addi %mul3A_193, %add3A_344 : i32
    %lt3A_346 = arith.constant 129 : i32
    %lt3A_347 = arith.cmpi slt, %add3A_344, %lt3A_346 : i32
    %lt3A_348 = arith.constant 257 : i32
    %lt3A_349 = arith.cmpi slt, %add3A_345, %lt3A_348 : i32
    %and3A_350 = arith.andi %lt3A_347, %lt3A_349 : i1
    %convert_element_type3A_351 = arith.extui %and3A_350 : i1 to i32
    %cond3A_352 = arith.constant 0 : i32
    %cond3A_353 = arith.cmpi ne, %convert_element_type3A_351, %cond3A_352 : i32
    scf.if %cond3A_353 {
      %dma_wait3A = arith.constant 0 : i32
      %dma_wait3A_387 = arith.constant 0 : i32
      %dma_wait3A_388 = tpu.memref_slice %arg3[%add3A_345, %dma_wait3A, %dma_wait3A_387] : memref<257x128x1000xf32, #tpu.memory_space<hbm>> -> memref<1x64x1000xf32, #tpu.memory_space<hbm>>
      %dma_wait3A_389 = tpu.memref_squeeze %dma_wait3A_388 : memref<1x64x1000xf32, #tpu.memory_space<hbm>> -> memref<64x1000xf32, #tpu.memory_space<hbm>>
      %dma_wait3A_390 = arith.constant 0 : i32
      %dma_wait3A_391 = arith.constant 0 : i32
      %dma_wait3A_392 = tpu.memref_slice %arg3[%add3A_345, %dma_wait3A_390, %dma_wait3A_391] : memref<257x128x1000xf32, #tpu.memory_space<hbm>> -> memref<1x64x1000xf32, #tpu.memory_space<hbm>>
      %dma_wait3A_393 = tpu.memref_squeeze %dma_wait3A_392 : memref<1x64x1000xf32, #tpu.memory_space<hbm>> -> memref<64x1000xf32, #tpu.memory_space<hbm>>
      tpu.wait_dma2 semaphore(%arg6 : memref<!tpu.dma_semaphore, #tpu.memory_space<semaphore_mem>>) src(%arg5 : memref<64x1000xf32, #tpu.memory_space<vmem>>) dst(%dma_wait3A_393 : memref<64x1000xf32, #tpu.memory_space<hbm>>)
      %dma_wait3A_394 = arith.constant 64 : i32
      %dma_wait3A_395 = arith.constant 0 : i32
      %dma_wait3A_396 = tpu.memref_slice %arg3[%add3A_345, %dma_wait3A_394, %dma_wait3A_395] : memref<257x128x1000xf32, #tpu.memory_space<hbm>> -> memref<1x64x1000xf32, #tpu.memory_space<hbm>>
      %dma_wait3A_397 = tpu.memref_squeeze %dma_wait3A_396 : memref<1x64x1000xf32, #tpu.memory_space<hbm>> -> memref<64x1000xf32, #tpu.memory_space<hbm>>
      %dma_wait3A_398 = arith.constant 64 : i32
      %dma_wait3A_399 = arith.constant 0 : i32
      %dma_wait3A_400 = tpu.memref_slice %arg3[%add3A_345, %dma_wait3A_398, %dma_wait3A_399] : memref<257x128x1000xf32, #tpu.memory_space<hbm>> -> memref<1x64x1000xf32, #tpu.memory_space<hbm>>
      %dma_wait3A_401 = tpu.memref_squeeze %dma_wait3A_400 : memref<1x64x1000xf32, #tpu.memory_space<hbm>> -> memref<64x1000xf32, #tpu.memory_space<hbm>>
      tpu.wait_dma2 semaphore(%arg6 : memref<!tpu.dma_semaphore, #tpu.memory_space<semaphore_mem>>) src(%arg5 : memref<64x1000xf32, #tpu.memory_space<vmem>>) dst(%dma_wait3A_401 : memref<64x1000xf32, #tpu.memory_space<hbm>>)
    } else {
    }
    %add3A_354 = arith.constant 96 : i32
    %add3A_355 = arith.addi %arg1, %add3A_354 : i32
    %add3A_356 = arith.addi %mul3A_193, %add3A_355 : i32
    %lt3A_357 = arith.constant 129 : i32
    %lt3A_358 = arith.cmpi slt, %add3A_355, %lt3A_357 : i32
    %lt3A_359 = arith.constant 257 : i32
    %lt3A_360 = arith.cmpi slt, %add3A_356, %lt3A_359 : i32
    %and3A_361 = arith.andi %lt3A_358, %lt3A_360 : i1
    %convert_element_type3A_362 = arith.extui %and3A_361 : i1 to i32
    %cond3A_363 = arith.constant 0 : i32
    %cond3A_364 = arith.cmpi ne, %convert_element_type3A_362, %cond3A_363 : i32
    scf.if %cond3A_364 {
      %dma_wait3A = arith.constant 0 : i32
      %dma_wait3A_387 = arith.constant 0 : i32
      %dma_wait3A_388 = tpu.memref_slice %arg3[%add3A_356, %dma_wait3A, %dma_wait3A_387] : memref<257x128x1000xf32, #tpu.memory_space<hbm>> -> memref<1x64x1000xf32, #tpu.memory_space<hbm>>
      %dma_wait3A_389 = tpu.memref_squeeze %dma_wait3A_388 : memref<1x64x1000xf32, #tpu.memory_space<hbm>> -> memref<64x1000xf32, #tpu.memory_space<hbm>>
      %dma_wait3A_390 = arith.constant 0 : i32
      %dma_wait3A_391 = arith.constant 0 : i32
      %dma_wait3A_392 = tpu.memref_slice %arg3[%add3A_356, %dma_wait3A_390, %dma_wait3A_391] : memref<257x128x1000xf32, #tpu.memory_space<hbm>> -> memref<1x64x1000xf32, #tpu.memory_space<hbm>>
      %dma_wait3A_393 = tpu.memref_squeeze %dma_wait3A_392 : memref<1x64x1000xf32, #tpu.memory_space<hbm>> -> memref<64x1000xf32, #tpu.memory_space<hbm>>
      tpu.wait_dma2 semaphore(%arg6 : memref<!tpu.dma_semaphore, #tpu.memory_space<semaphore_mem>>) src(%arg5 : memref<64x1000xf32, #tpu.memory_space<vmem>>) dst(%dma_wait3A_393 : memref<64x1000xf32, #tpu.memory_space<hbm>>)
      %dma_wait3A_394 = arith.constant 64 : i32
      %dma_wait3A_395 = arith.constant 0 : i32
      %dma_wait3A_396 = tpu.memref_slice %arg3[%add3A_356, %dma_wait3A_394, %dma_wait3A_395] : memref<257x128x1000xf32, #tpu.memory_space<hbm>> -> memref<1x64x1000xf32, #tpu.memory_space<hbm>>
      %dma_wait3A_397 = tpu.memref_squeeze %dma_wait3A_396 : memref<1x64x1000xf32, #tpu.memory_space<hbm>> -> memref<64x1000xf32, #tpu.memory_space<hbm>>
      %dma_wait3A_398 = arith.constant 64 : i32
      %dma_wait3A_399 = arith.constant 0 : i32
      %dma_wait3A_400 = tpu.memref_slice %arg3[%add3A_356, %dma_wait3A_398, %dma_wait3A_399] : memref<257x128x1000xf32, #tpu.memory_space<hbm>> -> memref<1x64x1000xf32, #tpu.memory_space<hbm>>
      %dma_wait3A_401 = tpu.memref_squeeze %dma_wait3A_400 : memref<1x64x1000xf32, #tpu.memory_space<hbm>> -> memref<64x1000xf32, #tpu.memory_space<hbm>>
      tpu.wait_dma2 semaphore(%arg6 : memref<!tpu.dma_semaphore, #tpu.memory_space<semaphore_mem>>) src(%arg5 : memref<64x1000xf32, #tpu.memory_space<vmem>>) dst(%dma_wait3A_401 : memref<64x1000xf32, #tpu.memory_space<hbm>>)
    } else {
    }
    %add3A_365 = arith.constant 112 : i32
    %add3A_366 = arith.addi %arg1, %add3A_365 : i32
    %add3A_367 = arith.addi %mul3A_193, %add3A_366 : i32
    %lt3A_368 = arith.constant 129 : i32
    %lt3A_369 = arith.cmpi slt, %add3A_366, %lt3A_368 : i32
    %lt3A_370 = arith.constant 257 : i32
    %lt3A_371 = arith.cmpi slt, %add3A_367, %lt3A_370 : i32
    %and3A_372 = arith.andi %lt3A_369, %lt3A_371 : i1
    %convert_element_type3A_373 = arith.extui %and3A_372 : i1 to i32
    %cond3A_374 = arith.constant 0 : i32
    %cond3A_375 = arith.cmpi ne, %convert_element_type3A_373, %cond3A_374 : i32
    scf.if %cond3A_375 {
      %dma_wait3A = arith.constant 0 : i32
      %dma_wait3A_387 = arith.constant 0 : i32
      %dma_wait3A_388 = tpu.memref_slice %arg3[%add3A_367, %dma_wait3A, %dma_wait3A_387] : memref<257x128x1000xf32, #tpu.memory_space<hbm>> -> memref<1x64x1000xf32, #tpu.memory_space<hbm>>
      %dma_wait3A_389 = tpu.memref_squeeze %dma_wait3A_388 : memref<1x64x1000xf32, #tpu.memory_space<hbm>> -> memref<64x1000xf32, #tpu.memory_space<hbm>>
      %dma_wait3A_390 = arith.constant 0 : i32
      %dma_wait3A_391 = arith.constant 0 : i32
      %dma_wait3A_392 = tpu.memref_slice %arg3[%add3A_367, %dma_wait3A_390, %dma_wait3A_391] : memref<257x128x1000xf32, #tpu.memory_space<hbm>> -> memref<1x64x1000xf32, #tpu.memory_space<hbm>>
      %dma_wait3A_393 = tpu.memref_squeeze %dma_wait3A_392 : memref<1x64x1000xf32, #tpu.memory_space<hbm>> -> memref<64x1000xf32, #tpu.memory_space<hbm>>
      tpu.wait_dma2 semaphore(%arg6 : memref<!tpu.dma_semaphore, #tpu.memory_space<semaphore_mem>>) src(%arg5 : memref<64x1000xf32, #tpu.memory_space<vmem>>) dst(%dma_wait3A_393 : memref<64x1000xf32, #tpu.memory_space<hbm>>)
      %dma_wait3A_394 = arith.constant 64 : i32
      %dma_wait3A_395 = arith.constant 0 : i32
      %dma_wait3A_396 = tpu.memref_slice %arg3[%add3A_367, %dma_wait3A_394, %dma_wait3A_395] : memref<257x128x1000xf32, #tpu.memory_space<hbm>> -> memref<1x64x1000xf32, #tpu.memory_space<hbm>>
      %dma_wait3A_397 = tpu.memref_squeeze %dma_wait3A_396 : memref<1x64x1000xf32, #tpu.memory_space<hbm>> -> memref<64x1000xf32, #tpu.memory_space<hbm>>
      %dma_wait3A_398 = arith.constant 64 : i32
      %dma_wait3A_399 = arith.constant 0 : i32
      %dma_wait3A_400 = tpu.memref_slice %arg3[%add3A_367, %dma_wait3A_398, %dma_wait3A_399] : memref<257x128x1000xf32, #tpu.memory_space<hbm>> -> memref<1x64x1000xf32, #tpu.memory_space<hbm>>
      %dma_wait3A_401 = tpu.memref_squeeze %dma_wait3A_400 : memref<1x64x1000xf32, #tpu.memory_space<hbm>> -> memref<64x1000xf32, #tpu.memory_space<hbm>>
      tpu.wait_dma2 semaphore(%arg6 : memref<!tpu.dma_semaphore, #tpu.memory_space<semaphore_mem>>) src(%arg5 : memref<64x1000xf32, #tpu.memory_space<vmem>>) dst(%dma_wait3A_401 : memref<64x1000xf32, #tpu.memory_space<hbm>>)
    } else {
    }
    %add3A_376 = arith.constant 128 : i32
    %add3A_377 = arith.addi %arg1, %add3A_376 : i32
    %add3A_378 = arith.addi %mul3A_193, %add3A_377 : i32
    %lt3A_379 = arith.constant 129 : i32
    %lt3A_380 = arith.cmpi slt, %add3A_377, %lt3A_379 : i32
    %lt3A_381 = arith.constant 257 : i32
    %lt3A_382 = arith.cmpi slt, %add3A_378, %lt3A_381 : i32
    %and3A_383 = arith.andi %lt3A_380, %lt3A_382 : i1
    %convert_element_type3A_384 = arith.extui %and3A_383 : i1 to i32
    %cond3A_385 = arith.constant 0 : i32
    %cond3A_386 = arith.cmpi ne, %convert_element_type3A_384, %cond3A_385 : i32
    scf.if %cond3A_386 {
      %dma_wait3A = arith.constant 0 : i32
      %dma_wait3A_387 = arith.constant 0 : i32
      %dma_wait3A_388 = tpu.memref_slice %arg3[%add3A_378, %dma_wait3A, %dma_wait3A_387] : memref<257x128x1000xf32, #tpu.memory_space<hbm>> -> memref<1x64x1000xf32, #tpu.memory_space<hbm>>
      %dma_wait3A_389 = tpu.memref_squeeze %dma_wait3A_388 : memref<1x64x1000xf32, #tpu.memory_space<hbm>> -> memref<64x1000xf32, #tpu.memory_space<hbm>>
      %dma_wait3A_390 = arith.constant 0 : i32
      %dma_wait3A_391 = arith.constant 0 : i32
      %dma_wait3A_392 = tpu.memref_slice %arg3[%add3A_378, %dma_wait3A_390, %dma_wait3A_391] : memref<257x128x1000xf32, #tpu.memory_space<hbm>> -> memref<1x64x1000xf32, #tpu.memory_space<hbm>>
      %dma_wait3A_393 = tpu.memref_squeeze %dma_wait3A_392 : memref<1x64x1000xf32, #tpu.memory_space<hbm>> -> memref<64x1000xf32, #tpu.memory_space<hbm>>
      tpu.wait_dma2 semaphore(%arg6 : memref<!tpu.dma_semaphore, #tpu.memory_space<semaphore_mem>>) src(%arg5 : memref<64x1000xf32, #tpu.memory_space<vmem>>) dst(%dma_wait3A_393 : memref<64x1000xf32, #tpu.memory_space<hbm>>)
      %dma_wait3A_394 = arith.constant 64 : i32
      %dma_wait3A_395 = arith.constant 0 : i32
      %dma_wait3A_396 = tpu.memref_slice %arg3[%add3A_378, %dma_wait3A_394, %dma_wait3A_395] : memref<257x128x1000xf32, #tpu.memory_space<hbm>> -> memref<1x64x1000xf32, #tpu.memory_space<hbm>>
      %dma_wait3A_397 = tpu.memref_squeeze %dma_wait3A_396 : memref<1x64x1000xf32, #tpu.memory_space<hbm>> -> memref<64x1000xf32, #tpu.memory_space<hbm>>
      %dma_wait3A_398 = arith.constant 64 : i32
      %dma_wait3A_399 = arith.constant 0 : i32
      %dma_wait3A_400 = tpu.memref_slice %arg3[%add3A_378, %dma_wait3A_398, %dma_wait3A_399] : memref<257x128x1000xf32, #tpu.memory_space<hbm>> -> memref<1x64x1000xf32, #tpu.memory_space<hbm>>
      %dma_wait3A_401 = tpu.memref_squeeze %dma_wait3A_400 : memref<1x64x1000xf32, #tpu.memory_space<hbm>> -> memref<64x1000xf32, #tpu.memory_space<hbm>>
      tpu.wait_dma2 semaphore(%arg6 : memref<!tpu.dma_semaphore, #tpu.memory_space<semaphore_mem>>) src(%arg5 : memref<64x1000xf32, #tpu.memory_space<vmem>>) dst(%dma_wait3A_401 : memref<64x1000xf32, #tpu.memory_space<hbm>>)
    } else {
    }
    return
  }
}

</mosaic_0001>

<sc_bundles>
// kernel: kernel.3.cloned.1.call-start
scs
__scs_entry_jumppad:
0x0: {  	(pc) =	sbr.rel $0x88, $3  }
0x1: {  	(tag) =	ssettag $0x0;
	lr =	simm.s32 $0x1  }
0x2: {  	[smem:$0x3FA0] =	sst lr;
	_ =	strace $0xD0000000  }
0x3: {  	_ = 	snop  }
0x4: {  	_ = 	snop  }
0x5: {  	_ = 	snop  }
0x6: {  	_ = 	snop  }
0x7: {  	_ = 	snop  }
__scs_overlays_trampoline_lowered:
0x8: {  	[smem:$0x3FAF] =	sst s0  }
0x9: {  	[smem:$0x3FB0] =	sst s1  }
0xa: {  	[smem:$0x3FB1] =	sst s2  }
0xb: {  	[smem:$0x3FB2] =	sst s3  }
0xc: {  	[smem:$0x3FB3] =	sst s4  }
0xd: {  	[smem:$0x3FB4] =	sst s5  }
0xe: {  	[smem:$0x3FB5] =	sst s6  }
0xf: {  	[smem:$0x3FB6] =	sst s7  }
0x10: {  	[smem:$0x3FB7] =	sst s8  }
0x11: {  	[smem:$0x3FB8] =	sst s9;
	s0 =	simm.s32 @!p0 $0x0  }
0x12: {  	s1 =	sld [smem:$0x3F9E];
	s0 =	simm.s32 @p0 $0x1  }
0x13: {  	[smem:$0x3FB9] =	sst s0;
	s0 =	simm.s32 @!p1 $0x0  }
0x14: {  	s2 =	sld [smem:$0x3F9D];
	s0 =	simm.s32 @p1 $0x1  }
0x15: {  	[smem:$0x3FBA] =	sst s0;
	s0 =	simm.s32 @!p2 $0x0  }
0x16: {  	s3 =	sld [smem:$0x3FDB];
	s0 =	simm.s32 @p2 $0x1  }
0x17: {  	s4 =	simm.s32 $0x1BF5;
	[smem:$0x3FBC] =	sst s0  }
0x18: {  	s0 =	sld [smem:$0x3F9F];
	_ =	swait.ge [sflag:s4], $0x0  }
0x19: {  	s7 =	sld [smem:$0x3FA0]  }
0x1a: {  	s8 =	sadd.s32 $0xFFFFE003, lr  }
0x1b: {  	s9 =	sadd.s32 $0xFFFFFEF7, lr;
	s5 =	simm.s32 $0xFFFFFFFF;
	p2 =	slt.u32 s8, $0xFFFFF086  }
0x1c: {  	p1 =	slt.u32 s9, $0xF7A;
	s5 =	simm.s32 @!p2 $0x0  }
0x1d: {  	s5 =	simm.s32 @p1 $0x1;
	p0 =	seq.s32 s7, s2  }
0x1e: {  	s7 =	smul.u32 @!p0 $0xF7A, s2;
	p2 =	seq.s32 @!p0 s5, $0x0  }
0x1f: {  	s9 =	smul.u32 $0xF7A, s1;
	s8 =	simm.s32 @!p0 $0x1BF5;
	p2 =	por !p2, p0  }
0x20: {  	[sflag:s8] =	ssyncset.s32 @!p0 $0xFFFFF086;
	s6 =	sadd.s32 @!p0 s3, s7;
	s7 =	simm.s32 @!p0 $0x108  }
0x21: {  	s3 =	sadd.s32 s3, s9;
	s6 =	sadd.s32 @!p0 $0x88, s6;
	s7 =	simm.s32 @p2 $0x1082  }
0x22: {  	[simem:s7], [sflag:s8] =	dma.local @!p0 [hbm:s6], $0xF7A  }
0x23: {  	s9 =	sor.u32 $0xD0000000, s2;
	s6 =	simm.s32 $0x108;
	_ =	swait.ge @!p0 [sflag:s8], $0x0  }
0x24: {  	s3 =	sadd.s32 $0x88, s3;
	s6 =	simm.s32 @!p1 $0x1082;
	[sflag:s4] =	ssyncset.s32 $0xFFFFF086  }
0x25: {  	[simem:s6], [sflag:s4] =	dma.local [hbm:s3], $0xF7A  }
0x26: {  	[smem:$0x3FA0] =	sst s1;
	(tag) =	ssettag s2;
	_ =	strace s9  }
0x27: {  	s1 =	sld [smem:$0x3FB0]  }
0x28: {  	s2 =	sld [smem:$0x3FB1]  }
0x29: {  	s4 =	sld [smem:$0x3FB3]  }
0x2a: {  	p0 =	seq.s32 s5, $0x0;
	s5 =	sld [smem:$0x3FB4]  }
0x2b: {  	s6 =	sld [smem:$0x3FB5]  }
0x2c: {  	s7 =	sld [smem:$0x3FB6]  }
0x2d: {  	s3 =	simm.s32 $0x108;
	s8 =	sld [smem:$0x3FB7]  }
0x2e: {  	s3 =	simm.s32 @!p0 $0x1082;
	s9 =	sld [smem:$0x3FB8]  }
0x2f: {  	lr =	sadd.s32 s0, s3;
	s0 =	sld [smem:$0x3FAF]  }
0x30: {  	s3 =	sld [smem:$0x3FB2]  }
0x31: {  	[smem:$0x3FBB] =	sst s10  }
0x32: {  	s10 =	sld [smem:$0x3FB9];
	_ =	sdelay $0x3  }
0x33: {  	p0 =	seq.s32 s10, $0x1;
	s10 =	sld [smem:$0x3FBB];
	_ =	sdelay $0x3  }
0x34: {  	[smem:$0x3FBB] =	sst s10  }
0x35: {  	s10 =	sld [smem:$0x3FBA];
	_ =	sdelay $0x3  }
0x36: {  	p1 =	seq.s32 s10, $0x1;
	s10 =	sld [smem:$0x3FBB];
	_ =	sdelay $0x3  }
0x37: {  	[smem:$0x3FBB] =	sst s10  }
0x38: {  	s10 =	sld [smem:$0x3FBC]  }
0x39: {  	_ = 	snop;
	(pc) =	sbr.ind lr, $3  }
0x3a: {  	_ = 	snop  }
0x3b: {  	_ = 	snop  }
0x3c: {  	p2 =	seq.s32 s10, $0x1;
	s10 =	sld [smem:$0x3FBB]  }
0x3d: {  	_ =	shalt  }
0x3e: {  	_ =	shalt  }
0x3f: {  	_ =	shalt  }
0x40: {  	_ =	shalt  }
0x41: {  	_ =	shalt  }
0x42: {  	_ =	shalt  }
0x43: {  	_ =	shalt  }
0x44: {  	_ =	shalt  }
0x45: {  	_ =	shalt  }
0x46: {  	_ =	shalt  }
0x47: {  	_ =	shalt  }
0x48: {  	_ =	shalt  }
0x49: {  	_ =	shalt  }
0x4a: {  	_ =	shalt  }
0x4b: {  	_ =	shalt  }
0x4c: {  	_ =	shalt  }
0x4d: {  	_ =	shalt  }
0x4e: {  	_ =	shalt  }
0x4f: {  	_ =	shalt  }
0x50: {  	_ =	shalt  }
0x51: {  	_ =	shalt  }
0x52: {  	_ =	shalt  }
0x53: {  	_ =	shalt  }
0x54: {  	_ =	shalt  }
0x55: {  	_ =	shalt  }
0x56: {  	_ =	shalt  }
0x57: {  	_ =	shalt  }
0x58: {  	_ =	shalt  }
0x59: {  	_ =	shalt  }
0x5a: {  	_ =	shalt  }
0x5b: {  	_ =	shalt  }
0x5c: {  	_ =	shalt  }
0x5d: {  	_ =	shalt  }
0x5e: {  	_ =	shalt  }
0x5f: {  	_ =	shalt  }
0x60: {  	_ =	shalt  }
0x61: {  	_ =	shalt  }
0x62: {  	_ =	shalt  }
0x63: {  	_ =	shalt  }
0x64: {  	_ =	shalt  }
0x65: {  	_ =	shalt  }
0x66: {  	_ =	shalt  }
0x67: {  	_ =	shalt  }
0x68: {  	_ =	shalt  }
0x69: {  	_ =	shalt  }
0x6a: {  	_ =	shalt  }
0x6b: {  	_ =	shalt  }
0x6c: {  	_ =	shalt  }
0x6d: {  	_ =	shalt  }
0x6e: {  	_ =	shalt  }
0x6f: {  	_ =	shalt  }
0x70: {  	_ =	shalt  }
0x71: {  	_ =	shalt  }
0x72: {  	_ =	shalt  }
0x73: {  	_ =	shalt  }
0x74: {  	_ =	shalt  }
0x75: {  	_ =	shalt  }
0x76: {  	_ =	shalt  }
0x77: {  	_ =	shalt  }
0x78: {  	_ =	shalt  }
0x79: {  	_ =	shalt  }
0x7a: {  	_ =	shalt  }
0x7b: {  	_ =	shalt  }
0x7c: {  	_ =	shalt  }
0x7d: {  	_ =	shalt  }
0x7e: {  	_ =	shalt  }
0x7f: {  	_ =	shalt  }
0x80: {  	_ =	shalt  }
0x81: {  	_ =	shalt  }
0x82: {  	_ =	shalt  }
0x83: {  	_ =	shalt  }
0x84: {  	_ =	shalt  }
0x85: {  	_ =	shalt  }
0x86: {  	_ =	shalt  }
0x87: {  	_ =	shalt  }
.Lfunc_end0:
.L_simem_size_0:
called_computation_lowered:
.L_overlay_start_0:
0x88: {  	s2 =	sld [smem:$0x3FD9]  }
0x89: {  	s3 =	sld [smem:$0x3FFE];
	_ =	sdelay $0x1  }
0x8a: {  	s1 =	srdreg.scid  }
0x8b: {  	s0 =	sand.u32 $0x1, s1  }
0x8c: {  	s17 =	sshll.u32 s0, $0xA;
	s2 =	sadd.s32 s3, s2  }
0x8d: {  	s2 =	sadd.s32 s2, s17  }
0x8e: {  	[smem:$0x3FC7] =	sst s2  }
0x8f: {  	_ = 	snop  }
0x90: {  	s2 =	sld [smem:$0x3FC9];
	(tm) =	ssettm $0x1  }
0x91: {  	s18 =	sld [smem:$0x3FFB];
	_ =	sdelay $0x3  }
0x92: {  	_ =	strace s18  }
0x93: {  	s3 =	sld [smem:$0x3FFC];
	_ =	sdelay $0x3  }
0x94: {  	_ =	strace s3  }
0x95: {  	s3 =	sld [smem:$0x3FFD];
	_ =	sdelay $0x3  }
0x96: {  	_ =	strace s3  }
0x97: {  	_ =	strace $0x8FFFFFFF  }
0x98: {  	s19 =	sld [smem:$0x3FDB];
	_ =	sdelay $0x1  }
0x99: {  	s4 =	simm.s32 $_scs_section_size  }
0x9a: {  	s5 =	simm.s32 $_size__tile_overlayer_lowered;
	s6 =	simm.s32 $_tile_overlayer_lowered  }
0x9b: {  	s22 =	simm.s32 $0x1BFF;
	s21 =	sshll.u32 s6, $0x1;
	s3 =	sadd.s32 s4, s19  }
0x9c: {  	s7 =	simm.s32 $0x0;
	s20 =	sshll.u32 s5, $0x1;
	s5 =	sadd.s32 s21, s3  }
0x9d: {  	[timem:s7], [sflag:s22] =	dma.local [hbm:s5], s20  }
0x9e: {  	_ =	swait.ge [sflag:s22], s20  }
0x9f: {  	s4 =	ssub.s32 $0x0, s20;
	[sflag:s22] =	ssyncset.done $0x0  }
0xa0: {  	[sflag:s22] =	ssyncadd.s32 s4;
	_ =	sdelay $0x1  }
0xa1: {  	s23 =	simm.s32 $0x1B8B  }
0xa2: {  	_ =	swait.ge [sflag:s23], $0x1  }
0xa3: {  	[sflag:s23] =	ssyncset.done $0x0  }
0xa4: {  	s25 =	simm.s32 $0x1B8E;
	s24 =	sld [smem:$0x3FFE];
	[sflag:s23] =	ssyncadd.s32 $0xFFFFFFFF  }
0xa5: {  	s26 =	simm.s32 $execute0_lowered;
	[smem:$0x3FD2] =	sst s25  }
0xa6: {  	s5 =	sshll.u32 s26, $0x1;
	_ =	strace $0x80000046;
	[dreg:$0x1] =	wrdreg $0xFFFFFFFF  }
0xa7: {  	s28 =	simm.s32 $_size_execute0_lowered;
	s3 =	sadd.s32 s3, s5;
	[dreg:$0x0] =	wrdreg $0x0  }
0xa8: {  	s5 =	sshll.u32 s28, $0x1;
	[dreg:$0x2] =	wrdreg s3  }
0xa9: {  	[dreg:$0x3] =	wrdreg s5  }
0xaa: {  	[dreg:$0x4] =	wrdreg $0xC0  }
0xab: {  	_ =	task [dreg:s7], $0x5FFFF  }
0xac: {  	[dreg:$0x1] =	wrdreg $0xFFFFFFFF  }
0xad: {  	[dreg:$0x0] =	wrdreg $0x60  }
0xae: {  	[dreg:$0x2] =	wrdreg s2  }
0xaf: {  	[dreg:$0x3] =	wrdreg s24  }
0xb0: {  	[dreg:$0x4] =	wrdreg $0x9  }
0xb1: {  	_ =	task.clear_ibuf [dreg:s7], $0x5FFFF;
	_ =	strace $0x90000046  }
0xb2: {  	s29 =	simm.s32 $0x9;
	_ =	strace $0x80000048  }
0xb3: {  	_ =	swait.ge [sflag:s29], $0x1  }
0xb4: {  	[sflag:s29] =	ssyncadd.s32 $0xFFFFFFFF  }
0xb5: {  	_ =	strace $0x90000048  }
0xb6: {  	_ =	sfence  }
0xb7: {  	s30 =	sld [smem:$0x0];
	_ =	sdelay $0x2  }
0xb8: {  	s31 =	sshll.u32 s1, $0xD;
	s1 =	sshrl.u32 s1, $0x2  }
0xb9: {  	s3 =	sand.u32 $0x4000, s31;
	s1 =	sadd.s32 s1, s30  }
0xba: {  	s0 =	sor.u32 s3, s0;
	s1 =	sshll.u32 s1, $0x11  }
0xbb: {  	s0 =	sor.u32 s1, s0  }
0xbc: {  	s0 =	sadd.s32 $0x8F2B, s0  }
0xbd: {  	[sflag:s0] =	ssyncadd.remote.s32 $0x1  }
0xbe: {  	_ =	sfence.sel $0xFFFF  }
0xbf: {  	[dreg:$0x0] =	wrdreg $0xFFFFFFFF;
	(pc) =	sbr.abs _section_cstart, $3  }
0xc0: {  	[dreg:$0x1] =	wrdreg $0xFFFFFFFF  }
0xc1: {  	_ =	task.clear_ibuf [dreg:s7], $0x2FFFF;
	_ =	strace $0x9FFFFFFF  }
0xc2: {  	(tm) =	ssettm $0x7FFFFFFF  }
0xc3: {  	_ =	shalt  }
tec
execute0_lowered:
.L_overlay_start_1:
0x0: {  	(tag) =	ssettag $0x1  }
0x1: {  	s1 =	rddreg [dreg:$0x0]  }
0x2: {  	s4 =	rddreg [dreg:$0x1];
	s3 =	srdreg.scid;
	s2 =	simm.s32 $0x0  }
0x3: {  	s0 =	stileid.u32;
	s24 =	simm.s32 $0x400;
	s25 =	simm.s32 $0x1  }
0x4: {  	s26 =	simm.s32 $0x0;
	s5 =	sand.u32 $0x1, s3;
	[smem:$0x7FF] =	sst s2  }
0x5: {  	s20 =	sadd.s32 $0x400, s4;
	s6 =	smul.u32 $0x81, s5;
	s5 =	ssub.s32 $0x2, s5  }
0x6: {  	s21 =	sadd.s32 $0x2400, s4;
	p0 =	seq.s32 s0, $0x0;
	s7 =	sshrl.u32 s5, $0x1  }
0x7: {  	_ =	strace $0x80000047;
	s18 =	sadd.s32 s0, s6;
	s22 =	ssub.s32 s5, s7  }
0x8: {  	s19 =	sshll.u32 s18, $0xE;
	s23 =	sadd.s32 $0x80, s18;
	s22 =	smax.u32 s22, $0x1  }
0x9: {  	s4 =	sadd.s32 s20, s19;
	s5 =	sadd.s32 s19, s21;
	s31 =	sadd.s32 $0x40000, s19  }
0xa: {  	s9 =	sadd.s32 $0x80000, s19;
	s11 =	sadd.s32 $0xC0000, s19;
	s13 =	sadd.s32 $0x100000, s19  }
0xb: {  	s15 =	sadd.s32 $0x140000, s19;
	s17 =	sadd.s32 $0x180000, s19;
	s19 =	sadd.s32 $0x1C0000, s19  }
0xc: {  	v0 =	vimm.s32 $0xFEDCBA98;
	p1 =	slt.u32 s23, $0x101;
	s23 =	sshll.u32 s23, $0xE;
	s6 =	sadd.s32 s20, s31  }
0xd: {  	v1 =	vimm.s32 $0x76543210;
	v0 =	vunpack.c.l.s4.s8 v0;
	s7 =	sadd.s32 s31, s21;
	s8 =	sadd.s32 s20, s9;
	s9 =	sadd.s32 s9, s21  }
0xe: {  	v1 =	vunpack.c.l.s4.s8 v1;
	s10 =	sadd.s32 s20, s11;
	s11 =	sadd.s32 s11, s21;
	s12 =	sadd.s32 s20, s13  }
0xf: {  	v0 =	vunpack.c.0.s8.s32 v0;
	s13 =	sadd.s32 s13, s21;
	s14 =	sadd.s32 s20, s15;
	s15 =	sadd.s32 s15, s21  }
0x10: {  	v1 =	vunpack.c.0.s8.s32 v1;
	s16 =	sadd.s32 s20, s17;
	s17 =	sadd.s32 s17, s21;
	s18 =	sadd.s32 s20, s19  }
0x11: {  	v0 =	vand.u32 $0xF, v0;
	p0 =	por !p0, !p1;
	s19 =	sadd.s32 s19, s21;
	s20 =	sadd.s32 s20, s23  }
0x12: {  	v0 =	vcombine.low v0, v1;
	s21 =	sadd.s32 s23, s21;
	s23 =	simm.s32 $0x2;
	p0 =	por !p0, !p0  }
.LBB2_1:
0x13: {  	[tilespmem:s2], [sflag:$0x2] =	stream.linear.gather [hbm4b:s1+s2], $0x400, $0x38;
	[tilespmem:$0x10400] =	vst v63  }
0x14: {  	_ =	swait.ge [sflag:s23], $0x400  }
0x15: {  	[sflag:s23] =	ssyncset.done $0x0  }
0x16: {  	[sflag:s23] =	ssyncadd.s32 $0xFFFFFC00  }
0x17: {  	v1 =	vld [tilespmem:$0x0]  }
0x18: {  	v2 =	vld [tilespmem:$0x10]  }
0x19: {  	v3 =	vld [tilespmem:$0x20]  }
0x1a: {  	v4 =	vld [tilespmem:$0x30]  }
0x1b: {  	v5 =	vld [tilespmem:$0x40]  }
0x1c: {  	v6 =	vld [tilespmem:$0x50]  }
0x1d: {  	v7 =	vld [tilespmem:$0x60]  }
0x1e: {  	v8 =	vld [tilespmem:$0x70]  }
0x1f: {  	v9 =	vld [tilespmem:$0x80]  }
0x20: {  	v10 =	vld [tilespmem:$0x90]  }
0x21: {  	v11 =	vld [tilespmem:$0xA0]  }
0x22: {  	v12 =	vld [tilespmem:$0xB0]  }
0x23: {  	v13 =	vld [tilespmem:$0xC0]  }
0x24: {  	v14 =	vld [tilespmem:$0xD0]  }
0x25: {  	v15 =	vld [tilespmem:$0xE0]  }
0x26: {  	v16 =	vld [tilespmem:$0xF0]  }
0x27: {  	v17 =	vld [tilespmem:$0x100]  }
0x28: {  	v18 =	vld [tilespmem:$0x110]  }
0x29: {  	v19 =	vld [tilespmem:$0x120]  }
0x2a: {  	v20 =	vld [tilespmem:$0x130]  }
0x2b: {  	v21 =	vld [tilespmem:$0x140]  }
0x2c: {  	v22 =	vld [tilespmem:$0x150]  }
0x2d: {  	v23 =	vld [tilespmem:$0x160]  }
0x2e: {  	v24 =	vld [tilespmem:$0x170]  }
0x2f: {  	v25 =	vld [tilespmem:$0x180]  }
0x30: {  	v26 =	vld [tilespmem:$0x190]  }
0x31: {  	v27 =	vld [tilespmem:$0x1A0]  }
0x32: {  	v28 =	vld [tilespmem:$0x1B0]  }
0x33: {  	v29 =	vld [tilespmem:$0x1C0]  }
0x34: {  	v30 =	vld [tilespmem:$0x1D0]  }
0x35: {  	v31 =	vld [tilespmem:$0x1E0]  }
0x36: {  	v32 =	vld [tilespmem:$0x1F0]  }
0x37: {  	v33 =	vld [tilespmem:$0x200]  }
0x38: {  	v34 =	vld [tilespmem:$0x210]  }
0x39: {  	v35 =	vld [tilespmem:$0x220]  }
0x3a: {  	v36 =	vld [tilespmem:$0x230]  }
0x3b: {  	v37 =	vld [tilespmem:$0x240]  }
0x3c: {  	v38 =	vld [tilespmem:$0x250]  }
0x3d: {  	v39 =	vld [tilespmem:$0x260]  }
0x3e: {  	v40 =	vld [tilespmem:$0x270]  }
0x3f: {  	v41 =	vld [tilespmem:$0x280]  }
0x40: {  	v42 =	vld [tilespmem:$0x290]  }
0x41: {  	v43 =	vld [tilespmem:$0x2A0]  }
0x42: {  	v44 =	vld [tilespmem:$0x2B0]  }
0x43: {  	v45 =	vld [tilespmem:$0x2C0]  }
0x44: {  	v46 =	vld [tilespmem:$0x2D0]  }
0x45: {  	v47 =	vld [tilespmem:$0x2E0]  }
0x46: {  	v48 =	vld [tilespmem:$0x2F0]  }
0x47: {  	v49 =	vld [tilespmem:$0x300]  }
0x48: {  	v50 =	vld [tilespmem:$0x310]  }
0x49: {  	v51 =	vld [tilespmem:$0x320]  }
0x4a: {  	v52 =	vld [tilespmem:$0x330]  }
0x4b: {  	v53 =	vld [tilespmem:$0x340]  }
0x4c: {  	v54 =	vld [tilespmem:$0x350]  }
0x4d: {  	v55 =	vld [tilespmem:$0x360]  }
0x4e: {  	v56 =	vld [tilespmem:$0x370]  }
0x4f: {  	v62 =	vld [tilespmem:$0x3D8]  }
0x50: {  	v57 =	vld [tilespmem:$0x380]  }
0x51: {  	v58 =	vld [tilespmem:$0x390]  }
0x52: {  	v59 =	vld [tilespmem:$0x3A0]  }
0x53: {  	s28 =	simm.s32 $0xFFFF0000;
	v60 =	vld [tilespmem:$0x3B0]  }
0x54: {  	s29 =	simm.s32 $0x0;
	s30 =	simm.s32 $0x0;
	s31 =	simm.s32 $0x0;
	v61 =	vld [tilespmem:$0x3C0];
	v62 =	vperm.xlane v62, v0  }
.LBB2_2:
0x55: {  	s0 =	sadd.s32 $0x10000, s28  }
0x56: {  	s3 =	sand.u32 $0x380, s31;
	s0 =	sand.u32 $0xE000, s0  }
0x57: {  	s0 =	sor.u32 s3, s0  }
0x58: {  	[tilespmem:s0+$0x400] =	vst v1  }
0x59: {  	[tilespmem:s0+$0x410] =	vst v2  }
0x5a: {  	[tilespmem:s0+$0x420] =	vst v3  }
0x5b: {  	[tilespmem:s0+$0x430] =	vst v4  }
0x5c: {  	[tilespmem:s0+$0x440] =	vst v5  }
0x5d: {  	[tilespmem:s0+$0x450] =	vst v6  }
0x5e: {  	[tilespmem:s0+$0x460] =	vst v7  }
0x5f: {  	[tilespmem:s0+$0x470] =	vst v8  }
0x60: {  	[tilespmem:s0+$0x800] =	vst v9  }
0x61: {  	[tilespmem:s0+$0x810] =	vst v10  }
0x62: {  	[tilespmem:s0+$0x820] =	vst v11  }
0x63: {  	[tilespmem:s0+$0x830] =	vst v12  }
0x64: {  	[tilespmem:s0+$0x840] =	vst v13  }
0x65: {  	[tilespmem:s0+$0x850] =	vst v14  }
0x66: {  	[tilespmem:s0+$0x860] =	vst v15  }
0x67: {  	[tilespmem:s0+$0x870] =	vst v16  }
0x68: {  	[tilespmem:s0+$0xC00] =	vst v17  }
0x69: {  	[tilespmem:s0+$0xC10] =	vst v18  }
0x6a: {  	[tilespmem:s0+$0xC20] =	vst v19  }
0x6b: {  	[tilespmem:s0+$0xC30] =	vst v20  }
0x6c: {  	[tilespmem:s0+$0xC40] =	vst v21  }
0x6d: {  	[tilespmem:s0+$0xC50] =	vst v22  }
0x6e: {  	[tilespmem:s0+$0xC60] =	vst v23  }
0x6f: {  	[tilespmem:s0+$0xC70] =	vst v24  }
0x70: {  	[tilespmem:s0+$0x1000] =	vst v25  }
0x71: {  	[tilespmem:s0+$0x1010] =	vst v26  }
0x72: {  	[tilespmem:s0+$0x1020] =	vst v27  }
0x73: {  	[tilespmem:s0+$0x1030] =	vst v28  }
0x74: {  	[tilespmem:s0+$0x1040] =	vst v29  }
0x75: {  	[tilespmem:s0+$0x1050] =	vst v30  }
0x76: {  	[tilespmem:s0+$0x1060] =	vst v31  }
0x77: {  	[tilespmem:s0+$0x1070] =	vst v32  }
0x78: {  	[tilespmem:s0+$0x1400] =	vst v33  }
0x79: {  	[tilespmem:s0+$0x1410] =	vst v34  }
0x7a: {  	[tilespmem:s0+$0x1420] =	vst v35  }
0x7b: {  	[tilespmem:s0+$0x1430] =	vst v36  }
0x7c: {  	[tilespmem:s0+$0x1440] =	vst v37  }
0x7d: {  	[tilespmem:s0+$0x1450] =	vst v38  }
0x7e: {  	[tilespmem:s0+$0x1460] =	vst v39  }
0x7f: {  	[tilespmem:s0+$0x1470] =	vst v40  }
0x80: {  	[tilespmem:s0+$0x1800] =	vst v41  }
0x81: {  	[tilespmem:s0+$0x1810] =	vst v42  }
0x82: {  	[tilespmem:s0+$0x1820] =	vst v43  }
0x83: {  	[tilespmem:s0+$0x1830] =	vst v44  }
0x84: {  	[tilespmem:s0+$0x1840] =	vst v45  }
0x85: {  	[tilespmem:s0+$0x1850] =	vst v46  }
0x86: {  	[tilespmem:s0+$0x1860] =	vst v47  }
0x87: {  	[tilespmem:s0+$0x1870] =	vst v48  }
0x88: {  	[tilespmem:s0+$0x1C00] =	vst v49  }
0x89: {  	[tilespmem:s0+$0x1C10] =	vst v50  }
0x8a: {  	[tilespmem:s0+$0x1C20] =	vst v51  }
0x8b: {  	[tilespmem:s0+$0x1C30] =	vst v52  }
0x8c: {  	s3 =	sand.u32 $0x7, s29;
	[tilespmem:s0+$0x1C40] =	vst v53  }
0x8d: {  	s3 =	sshll.u32 s3, $0x7;
	[tilespmem:s0+$0x1C50] =	vst v54  }
0x8e: {  	[tilespmem:s0+$0x1C60] =	vst v55;
	s3 =	sadd.s32 s3, s30  }
0x8f: {  	[tilespmem:s0+$0x1C70] =	vst v56;
	s0 =	sor.u32 $0x1C00, s3  }
0x90: {  	[tilespmem:s0+$0x400] =	vst v57;
	s0 =	sor.u32 $0x1C10, s3  }
0x91: {  	p1 =	sne.s32 s31, $0x1F80;
	[tilespmem:s0+$0x400] =	vst v58;
	s0 =	sor.u32 $0x1C20, s3  }
.Ltmp0:
0x92: {  	[tilespmem:s0+$0x400] =	vst v59;
	s0 =	sor.u32 $0x1C30, s3;
	(pc) =	sbr.rel @p1 .LBB2_2-.Ltmp0, $4  }
0x93: {  	[tilespmem:s0+$0x400] =	vst v60;
	s0 =	sor.u32 $0x1C40, s3  }
0x94: {  	[tilespmem:s0+$0x400] =	vst v61;
	s0 =	sor.u32 $0x1C50, s3  }
0x95: {  	s28 =	sadd.s32 $0x400, s28;
	s3 =	sor.u32 $0x1C60, s3;
	[tilespmem:s0+$0x400] =	vst v62  }
0x96: {  	s31 =	sadd.s32 $0x80, s31;
	s29 =	sadd.s32 $0x1, s29;
	s30 =	sadd.s32 $0x400, s30;
	[tilespmem:s3+$0x400] =	vst.msk $0xff, v62  }
0x97: {  	[hbm4b:s4+s2] =	stream.linear.scatter [tilespmem:s24], [sflag:$0x1], $0x10000, $0x38;
	[tilespmem:$0x10400] =	vst v63  }
0x98: {  	_ = 	snop  }
0x99: {  	[hbm4b:s5+s2] =	stream.linear.scatter [tilespmem:s24], [sflag:$0x1], $0x10000, $0x38;
	[tilespmem:$0x10400] =	vst v63  }
0x9a: {  	_ = 	snop  }
0x9b: {  	[hbm4b:s6+s2] =	stream.linear.scatter [tilespmem:s24], [sflag:$0x1], $0x10000, $0x38;
	[tilespmem:$0x10400] =	vst v63  }
0x9c: {  	_ = 	snop  }
0x9d: {  	[hbm4b:s7+s2] =	stream.linear.scatter [tilespmem:s24], [sflag:$0x1], $0x10000, $0x38;
	[tilespmem:$0x10400] =	vst v63  }
0x9e: {  	_ = 	snop  }
0x9f: {  	[hbm4b:s8+s2] =	stream.linear.scatter [tilespmem:s24], [sflag:$0x1], $0x10000, $0x38;
	[tilespmem:$0x10400] =	vst v63  }
0xa0: {  	_ = 	snop  }
0xa1: {  	[hbm4b:s9+s2] =	stream.linear.scatter [tilespmem:s24], [sflag:$0x1], $0x10000, $0x38;
	[tilespmem:$0x10400] =	vst v63  }
0xa2: {  	_ = 	snop  }
0xa3: {  	[hbm4b:s10+s2] =	stream.linear.scatter [tilespmem:s24], [sflag:$0x1], $0x10000, $0x38;
	[tilespmem:$0x10400] =	vst v63  }
0xa4: {  	_ = 	snop  }
0xa5: {  	[hbm4b:s11+s2] =	stream.linear.scatter [tilespmem:s24], [sflag:$0x1], $0x10000, $0x38;
	[tilespmem:$0x10400] =	vst v63  }
0xa6: {  	_ = 	snop  }
0xa7: {  	[hbm4b:s12+s2] =	stream.linear.scatter [tilespmem:s24], [sflag:$0x1], $0x10000, $0x38;
	[tilespmem:$0x10400] =	vst v63  }
0xa8: {  	_ = 	snop  }
0xa9: {  	[hbm4b:s13+s2] =	stream.linear.scatter [tilespmem:s24], [sflag:$0x1], $0x10000, $0x38;
	[tilespmem:$0x10400] =	vst v63  }
0xaa: {  	_ = 	snop  }
0xab: {  	[hbm4b:s14+s2] =	stream.linear.scatter [tilespmem:s24], [sflag:$0x1], $0x10000, $0x38;
	[tilespmem:$0x10400] =	vst v63  }
0xac: {  	_ = 	snop  }
0xad: {  	[hbm4b:s15+s2] =	stream.linear.scatter [tilespmem:s24], [sflag:$0x1], $0x10000, $0x38;
	[tilespmem:$0x10400] =	vst v63  }
0xae: {  	_ = 	snop  }
0xaf: {  	[hbm4b:s16+s2] =	stream.linear.scatter [tilespmem:s24], [sflag:$0x1], $0x10000, $0x38;
	[tilespmem:$0x10400] =	vst v63  }
0xb0: {  	_ = 	snop  }
0xb1: {  	[hbm4b:s17+s2] =	stream.linear.scatter [tilespmem:s24], [sflag:$0x1], $0x10000, $0x38;
	[tilespmem:$0x10400] =	vst v63  }
0xb2: {  	_ = 	snop  }
0xb3: {  	[hbm4b:s18+s2] =	stream.linear.scatter [tilespmem:s24], [sflag:$0x1], $0x10000, $0x38;
	[tilespmem:$0x10400] =	vst v63  }
0xb4: {  	_ = 	snop  }
0xb5: {  	[hbm4b:s19+s2] =	stream.linear.scatter [tilespmem:s24], [sflag:$0x1], $0x10000, $0x38;
	[tilespmem:$0x10400] =	vst v63  }
0xb6: {  	s0 =	simm.s32 @p0 $0x0;
	s3 =	simm.s32 @p0 $0x400  }
0xb7: {  	[hbm4b:s20+s0] =	stream.linear.scatter @p0 [tilespmem:s3], [sflag:$0x1], $0x10000, $0x38;
	[tilespmem:$0x10400] =	vst v63  }
0xb8: {  	_ = 	snop  }
0xb9: {  	[hbm4b:s21+s0] =	stream.linear.scatter @p0 [tilespmem:s3], [sflag:$0x1], $0x10000, $0x38;
	[tilespmem:$0x10400] =	vst v63  }
0xba: {  	_ =	swait.ge [sflag:s25], $0x10000  }
0xbb: {  	[sflag:s25] =	ssyncset.done $0x0  }
0xbc: {  	[sflag:s25] =	ssyncadd.s32 $0xFFFF0000  }
0xbd: {  	_ =	swait.ge [sflag:s25], $0x10000  }
0xbe: {  	[sflag:s25] =	ssyncset.done $0x0  }
0xbf: {  	[sflag:s25] =	ssyncadd.s32 $0xFFFF0000  }
0xc0: {  	_ =	swait.ge [sflag:s25], $0x10000  }
0xc1: {  	[sflag:s25] =	ssyncset.done $0x0  }
0xc2: {  	[sflag:s25] =	ssyncadd.s32 $0xFFFF0000  }
0xc3: {  	_ =	swait.ge [sflag:s25], $0x10000  }
0xc4: {  	[sflag:s25] =	ssyncset.done $0x0  }
0xc5: {  	[sflag:s25] =	ssyncadd.s32 $0xFFFF0000  }
0xc6: {  	_ =	swait.ge [sflag:s25], $0x10000  }
0xc7: {  	[sflag:s25] =	ssyncset.done $0x0  }
0xc8: {  	[sflag:s25] =	ssyncadd.s32 $0xFFFF0000  }
0xc9: {  	_ =	swait.ge [sflag:s25], $0x10000  }
0xca: {  	[sflag:s25] =	ssyncset.done $0x0  }
0xcb: {  	[sflag:s25] =	ssyncadd.s32 $0xFFFF0000  }
0xcc: {  	_ =	swait.ge [sflag:s25], $0x10000  }
0xcd: {  	[sflag:s25] =	ssyncset.done $0x0  }
0xce: {  	[sflag:s25] =	ssyncadd.s32 $0xFFFF0000  }
0xcf: {  	_ =	swait.ge [sflag:s25], $0x10000  }
0xd0: {  	[sflag:s25] =	ssyncset.done $0x0  }
0xd1: {  	[sflag:s25] =	ssyncadd.s32 $0xFFFF0000  }
0xd2: {  	_ =	swait.ge [sflag:s25], $0x10000  }
0xd3: {  	[sflag:s25] =	ssyncset.done $0x0  }
0xd4: {  	[sflag:s25] =	ssyncadd.s32 $0xFFFF0000  }
0xd5: {  	_ =	swait.ge [sflag:s25], $0x10000  }
0xd6: {  	[sflag:s25] =	ssyncset.done $0x0  }
0xd7: {  	[sflag:s25] =	ssyncadd.s32 $0xFFFF0000  }
0xd8: {  	_ =	swait.ge [sflag:s25], $0x10000  }
0xd9: {  	[sflag:s25] =	ssyncset.done $0x0  }
0xda: {  	[sflag:s25] =	ssyncadd.s32 $0xFFFF0000  }
0xdb: {  	_ =	swait.ge [sflag:s25], $0x10000  }
0xdc: {  	[sflag:s25] =	ssyncset.done $0x0  }
0xdd: {  	[sflag:s25] =	ssyncadd.s32 $0xFFFF0000  }
0xde: {  	_ =	swait.ge [sflag:s25], $0x10000  }
0xdf: {  	[sflag:s25] =	ssyncset.done $0x0  }
0xe0: {  	[sflag:s25] =	ssyncadd.s32 $0xFFFF0000  }
0xe1: {  	_ =	swait.ge [sflag:s25], $0x10000  }
0xe2: {  	[sflag:s25] =	ssyncset.done $0x0  }
0xe3: {  	[sflag:s25] =	ssyncadd.s32 $0xFFFF0000  }
0xe4: {  	_ =	swait.ge [sflag:s25], $0x10000  }
0xe5: {  	[sflag:s25] =	ssyncset.done $0x0  }
0xe6: {  	[sflag:s25] =	ssyncadd.s32 $0xFFFF0000  }
0xe7: {  	_ =	swait.ge [sflag:s25], $0x10000  }
0xe8: {  	[sflag:s25] =	ssyncset.done $0x0  }
0xe9: {  	s26 =	sadd.s32 $0x1, s26;
	s0 =	simm.s32 @p0 $0x1;
	[sflag:s25] =	ssyncadd.s32 $0xFFFF0000  }
0xea: {  	p1 =	sne.s32 s26, s22;
	_ =	swait.ge @p0 [sflag:s0], $0x10000  }
.Ltmp1:
0xeb: {  	[sflag:s0] =	ssyncset.done @p0 $0x0;
	(pc) =	sbr.rel @p1 .LBB2_1-.Ltmp1, $4  }
0xec: {  	[sflag:s0] =	ssyncadd.s32 @p0 $0xFFFF0000  }
0xed: {  	_ =	swait.ge @p0 [sflag:s0], $0x10000  }
0xee: {  	[sflag:s0] =	ssyncset.done @p0 $0x0  }
0xef: {  	[sflag:s0] =	ssyncadd.s32 @p0 $0xFFFF0000  }
0xf0: {  	_ =	sfence.sel $0x180000  }
0xf1: {  	[bflag:$0x0] =	sbarrier.arrive $0xFFFF  }
0xf2: {  	_ =	strace $0x90000047  }
0xf3: {  	s0 =	stileid.u32;
	[bflag:$0x2] =	sbarrier.arrive $0xFFFF  }
0xf4: {  	p0 =	sne.s32 s0, $0x0;
	s0 =	rddreg [dreg:$0x2]  }
0xf5: {  	s0 =	sadd.s32 @!p0 $0x100000, s0  }
0xf6: {  	[sflag:s0] =	ssyncadd.tile.s32 @!p0 $0x1;
	_ =	shalt  }
.Lfunc_end2:
_tile_overlayer_lowered:
.L_overlay_start_2:
0xf7: {  	(tag) =	ssettag $0x2  }
0xf8: {  	s0 =	rddreg [dreg:$0x0];
	s2 =	stileid.u32  }
0xf9: {  	s1 =	rddreg [dreg:$0x1];
	p0 =	sne.s32 s2, $0x0  }
0xfa: {  	s3 =	rddreg [dreg:$0x2];
	[bflag:$0x3] =	sbarrier.arrive $0xFFFF;
	s2 =	simm.s32 @!p0 $0x1C02  }
0xfb: {  	[timem:s3], [sflag:s2] =	dma.local @!p0 [hbm:s0], s1  }
0xfc: {  	s0 =	simm.s32 @!p0 $0x2  }
0xfd: {  	_ =	swait.ge @!p0 [sflag:s0], s1  }
0xfe: {  	s1 =	ssub.s32 @!p0 $0x0, s1;
	[sflag:s0] =	ssyncset.done @!p0 $0x0  }
0xff: {  	[sflag:s0] =	ssyncadd.s32 @!p0 s1  }
0x100: {  	[bflag:$0x3] =	sbarrier.arrive $0xFFFF  }
0x101: {  	_ =	shalt  }

</sc_bundles>
